<compile_context>
chip_gen: v7x
topology: tpu7x:2x2x1
jax: 0.10.2.dev20260603
libtpu: 0.0.44.dev20260713+nightly
codegen_flags: <defaults>
</compile_context>

<pallas_src>
import functools

import jax
import jax.numpy as jnp
from jax import lax
from jax.experimental import pallas as pl
from jax.experimental.pallas import tpu as pltpu
from jax.experimental.pallas import tpu_sc as plsc

N_NODES = 1_000_000
B = 16384
D = 64
L = 16
NC = 2
NS = 16
NW = NC * NS
RANGE_BITS = 15
RANGE = 1 << RANGE_BITS
JBITS = 14
JMASK = (1 << JBITS) - 1
NCHUNK = B // L
RC = 32
SENT = 0x7FFFFFFF


def _dyn_gather(x, i):
    return lax.gather(
        x,
        i[:, None],
        lax.GatherDimensionNumbers(
            offset_dims=(), collapsed_slice_dims=(0,), start_index_map=(0,)
        ),
        (1,),
        mode=lax.GatherScatterMode.PROMISE_IN_BOUNDS,
    )


def _sc_body(idx_hbm, val_hbm, out_hbm, idxv, pbuf, wt, gsm, jsm, rows, semg, sems):
    cid = lax.axis_index("c")
    sid = lax.axis_index("s")
    wid = sid * NC + cid
    iota = lax.iota(jnp.int32, L)

    pltpu.sync_copy(idx_hbm, idxv)

    def scan_body(k, cursor):
        v1 = idxv[2 * k]
        v2 = idxv[2 * k + 1]
        m1 = (v1 >> RANGE_BITS) == wid
        m2 = (v2 >> RANGE_BITS) == wid
        p1 = ((v1 & (RANGE - 1)) << JBITS) | (iota + (2 * k) * L)
        p2 = ((v2 & (RANGE - 1)) << JBITS) | (iota + (2 * k + 1) * L)
        c1 = plsc.cumsum(jnp.where(m1, 1, 0))
        c2 = plsc.cumsum(jnp.where(m2, 1, 0))
        plsc.store_scatter(pbuf, [(cursor - 1) + c1], p1, mask=m1)
        base2 = cursor + c1[L - 1]
        plsc.store_scatter(pbuf, [(base2 - 1) + c2], p2, mask=m2)
        return base2 + c2[L - 1]

    n_w = lax.fori_loop(0, NCHUNK // 2, scan_body, jnp.int32(0))

    nch = (n_w + (L - 1)) // L
    nrc = (n_w + (RC - 1)) // RC

    perm1 = (iota + 1) & (L - 1)

    def post_body(t, _):
        pk = pbuf[pl.ds(t * L, L)]
        valid = (iota + t * L) < n_w
        pk = jnp.where(valid, pk, SENT)
        ps = jnp.sort(pk)
        nxt = _dyn_gather(ps, perm1)
        kill = ((ps >> JBITS) == (nxt >> JBITS)) & (iota < (L - 1))
        keep = (ps != SENT) & ~kill
        plsc.store_scatter(wt, [ps >> JBITS], ps & JMASK, mask=keep)
        return 0

    lax.fori_loop(0, nch, post_body, 0)

    p0 = pbuf[pl.ds(0, L)]
    pad = jnp.full((L,), p0[0], jnp.int32)

    def fill(t, buf):
        def fill_body(u, _):
            q = t * (RC // L) + u
            pk = pbuf[pl.ds(q * L, L)]
            valid = (iota + q * L) < n_w
            pk = jnp.where(valid, pk, pad)
            g = plsc.load_gather(wt, [pk >> JBITS])
            gsm[buf, pl.ds(u * L, L)] = g
            jsm[buf, pl.ds(u * L, L)] = pk & JMASK
            return 0

        lax.fori_loop(0, RC // L, fill_body, 0)

    @pl.when(nrc > 0)
    def _():
        fill(0, 0)
        pltpu.async_copy(val_hbm.at[gsm.at[0]], rows.at[0], semg)

    @pl.when(nrc > 1)
    def _():
        fill(1, 1)
        pltpu.async_copy(val_hbm.at[gsm.at[1]], rows.at[1], semg)

    def dma_body(t, _):
        buf = t & 3
        pltpu.make_async_copy(val_hbm.at[gsm.at[buf]], rows.at[buf], semg).wait()

        @pl.when(t >= 2)
        def _():
            pltpu.make_async_copy(
                rows.at[buf], out_hbm.at[jsm.at[buf]], sems
            ).wait()

        pltpu.async_copy(rows.at[buf], out_hbm.at[jsm.at[buf]], sems)

        @pl.when(t + 2 < nrc)
        def _():
            nbuf = (t + 2) & 3
            fill(t + 2, nbuf)
            pltpu.async_copy(val_hbm.at[gsm.at[nbuf]], rows.at[nbuf], semg)

        return 0

    lax.fori_loop(0, nrc, dma_body, 0)

    @pl.when(nrc > 0)
    def _():
        pltpu.make_async_copy(rows.at[0], out_hbm.at[jsm.at[0]], sems).wait()

    @pl.when(nrc > 1)
    def _():
        pltpu.make_async_copy(rows.at[1], out_hbm.at[jsm.at[1]], sems).wait()


_sc_call = functools.partial(
    pl.kernel,
    out_type=jax.ShapeDtypeStruct((B, D), jnp.float32),
    mesh=plsc.VectorSubcoreMesh(
        core_axis_name="c", subcore_axis_name="s", num_cores=NC, num_subcores=NS
    ),
    compiler_params=pltpu.CompilerParams(
        needs_layout_passes=False, use_tc_tiling_on_sc=False
    ),
    scratch_types=[
        pltpu.VMEM((NCHUNK, L), jnp.int32),
        pltpu.VMEM((B + L,), jnp.int32),
        pltpu.VMEM((RANGE,), jnp.int32),
        pltpu.VMEM((4, RC), jnp.int32),
        pltpu.VMEM((4, RC), jnp.int32),
        pltpu.VMEM((4, RC, D), jnp.float32),
        pltpu.SemaphoreType.DMA,
        pltpu.SemaphoreType.DMA,
    ],
)(_sc_body)


def kernel(mem, idx, val):
    del mem
    idx32 = jnp.asarray(idx, jnp.int32).reshape(NCHUNK, L)
    return _sc_call(idx32, jnp.asarray(val, jnp.float32))

# --- scband reference (transcript-rebuilt; emitter-appended) ---
"""Pipeline reference for scband-memory-80298708566190 (READ-ONLY COPY).

The authoritative reference and input builder live on the scoring server;
editing this copy changes nothing except your own understanding.
"""

import jax, jax.numpy as jnp
import numpy as np


def setup_inputs(seed: int = 0) -> dict:
    key = jax.random.key(seed)
    k1, k2, k3 = jax.random.split(key, 3)
    n_nodes = 1000000
    memory_dimension = 64
    batch = 16384
    mem = jax.random.normal(k1, (n_nodes, memory_dimension), dtype=jnp.float32)
    idx = jax.random.randint(k2, (batch,), 0, n_nodes, dtype=jnp.int64)
    val = jax.random.normal(k3, (batch, memory_dimension), dtype=jnp.float32)
    return {"mem": mem, "idx": idx, "val": val}


def reference(mem, idx, val):
    # Memory.set_memory: scatter-overwrite rows of the node memory table
    # (self.memory[node_idxs, :] = values)
    new_mem = mem.at[idx].set(val)
    # Memory.get_memory: gather rows for the same node indices
    # (return self.memory[node_idxs, :])
    out = new_mem[idx, :]
    return out

if __name__ == "__main__":
    import jax
    _d = setup_inputs()
    print(jax.jit(kernel)(*tuple(_d.values())))

</pallas_src>

<mosaic_0001>
#map = affine_map<(d0, d1) -> (0, 0)>
module attributes {stable_mosaic.version = 14 : i64} {
  func.func @_sc_body(%arg0: i32, %arg1: i32, %arg2: memref<1024x16xi32, #tpu.memory_space<hbm>>, %arg3: memref<16384x64xf32, #tpu.memory_space<hbm>>, %arg4: memref<16384x64xf32, #tpu.memory_space<hbm>>, %arg5: memref<1024x16xi32, #tpu.memory_space<vmem>>, %arg6: memref<16400xi32, #tpu.memory_space<vmem>>, %arg7: memref<32768xi32, #tpu.memory_space<vmem>>, %arg8: memref<4x32xi32, #tpu.memory_space<vmem>>, %arg9: memref<4x32xi32, #tpu.memory_space<vmem>>, %arg10: memref<4x32x64xf32, #tpu.memory_space<vmem>>, %arg11: memref<!tpu.dma_semaphore, #tpu.memory_space<semaphore_mem>>, %arg12: memref<!tpu.dma_semaphore, #tpu.memory_space<semaphore_mem>>) attributes {dimension_semantics = [#tpu.dimension_semantics<core_parallel>, #tpu.dimension_semantics<subcore_parallel>], iteration_bounds = array<i64: 2, 16>, scalar_prefetch = 0 : i64, scratch_operands = 8 : i64, tpu.core_type = #tpu.core_type<sc_vector_subcore>, window_params = [{transform_indices = #map}, {transform_indices = #map}, {transform_indices = #map}]} {
    %mul3A = arith.constant 2 : i32
    %mul3A_0 = arith.muli %arg1, %mul3A : i32
    %add3A = arith.addi %mul3A_0, %arg0 : i32
    %iota3A = tpu.iota {dimensions = array<i32: 0>} : vector<16xi32>
    "tpu.region"() ({
      %run_scoped3A = tpu.sem_alloc : memref<!tpu.dma_semaphore, #tpu.memory_space<semaphore_mem>>
      tpu.enqueue_dma source(%arg2 : memref<1024x16xi32, #tpu.memory_space<hbm>>) target(%arg5 : memref<1024x16xi32, #tpu.memory_space<vmem>>) target_semaphore(%run_scoped3A : memref<!tpu.dma_semaphore, #tpu.memory_space<semaphore_mem>>)
      tpu.wait_dma2 semaphore(%run_scoped3A : memref<!tpu.dma_semaphore, #tpu.memory_space<semaphore_mem>>) src(%arg2 : memref<1024x16xi32, #tpu.memory_space<hbm>>) dst(%arg5 : memref<1024x16xi32, #tpu.memory_space<vmem>>)
      tpu.yield
    }) : () -> ()
    %scan3A = arith.constant 0 : i32
    %scan3A_1 = arith.constant 0 : i32
    %scan3A_2 = arith.constant 512 : i32
    %scan3A_3 = arith.addi %scan3A_1, %scan3A_2 : i32
    %scan3A_4 = arith.constant 1 : i32
    %scan3A_5 = scf.for %scan3A_98 = %scan3A_1 to %scan3A_3 step %scan3A_4 iter_args(%scan3A_99 = %scan3A) -> (i32)  : i32 {
      %mul3A_100 = arith.constant 2 : i32
      %mul3A_101 = arith.muli %mul3A_100, %scan3A_98 : i32
      %get3A_102 = arith.index_cast %mul3A_101 : i32 to index
      %get3A_103 = arith.constant 0 : index
      %get3A_104 = tpu.vector_load %arg5[%get3A_102, %get3A_103] {strides = array<i32>} : memref<1024x16xi32, #tpu.memory_space<vmem>>, vector<16xi32>,
      %mul3A_105 = arith.constant 2 : i32
      %mul3A_106 = arith.muli %mul3A_105, %scan3A_98 : i32
      %add3A_107 = arith.constant 1 : i32
      %add3A_108 = arith.addi %mul3A_106, %add3A_107 : i32
      %get3A_109 = arith.index_cast %add3A_108 : i32 to index
      %get3A_110 = arith.constant 0 : index
      %get3A_111 = tpu.vector_load %arg5[%get3A_109, %get3A_110] {strides = array<i32>} : memref<1024x16xi32, #tpu.memory_space<vmem>>, vector<16xi32>,
      %shift_right_arithmetic3A = arith.constant 15 : i32
      %shift_right_arithmetic3A_112 = vector.broadcast %shift_right_arithmetic3A : i32 to vector<16xi32>
      %shift_right_arithmetic3A_113 = arith.shrsi %get3A_104, %shift_right_arithmetic3A_112 : vector<16xi32>
      %eq3A = vector.broadcast %add3A : i32 to vector<16xi32>
      %eq3A_114 = arith.cmpi eq, %shift_right_arithmetic3A_113, %eq3A : vector<16xi32>
      %shift_right_arithmetic3A_115 = arith.constant 15 : i32
      %shift_right_arithmetic3A_116 = vector.broadcast %shift_right_arithmetic3A_115 : i32 to vector<16xi32>
      %shift_right_arithmetic3A_117 = arith.shrsi %get3A_111, %shift_right_arithmetic3A_116 : vector<16xi32>
      %eq3A_118 = vector.broadcast %add3A : i32 to vector<16xi32>
      %eq3A_119 = arith.cmpi eq, %shift_right_arithmetic3A_117, %eq3A_118 : vector<16xi32>
      %and3A_120 = arith.constant 32767 : i32
      %and3A_121 = vector.broadcast %and3A_120 : i32 to vector<16xi32>
      %and3A_122 = arith.andi %get3A_104, %and3A_121 : vector<16xi32>
      %shift_left3A = arith.constant 14 : i32
      %shift_left3A_123 = vector.broadcast %shift_left3A : i32 to vector<16xi32>
      %shift_left3A_124 = arith.shli %and3A_122, %shift_left3A_123 : vector<16xi32>
      %mul3A_125 = arith.constant 2 : i32
      %mul3A_126 = arith.muli %mul3A_125, %scan3A_98 : i32
      %mul3A_127 = arith.constant 16 : i32
      %mul3A_128 = arith.muli %mul3A_126, %mul3A_127 : i32
      %add3A_129 = vector.broadcast %mul3A_128 : i32 to vector<16xi32>
      %add3A_130 = arith.addi %iota3A, %add3A_129 : vector<16xi32>
      %or3A = arith.ori %shift_left3A_124, %add3A_130 : vector<16xi32>
      %and3A_131 = arith.constant 32767 : i32
      %and3A_132 = vector.broadcast %and3A_131 : i32 to vector<16xi32>
      %and3A_133 = arith.andi %get3A_111, %and3A_132 : vector<16xi32>
      %shift_left3A_134 = arith.constant 14 : i32
      %shift_left3A_135 = vector.broadcast %shift_left3A_134 : i32 to vector<16xi32>
      %shift_left3A_136 = arith.shli %and3A_133, %shift_left3A_135 : vector<16xi32>
      %mul3A_137 = arith.constant 2 : i32
      %mul3A_138 = arith.muli %mul3A_137, %scan3A_98 : i32
      %add3A_139 = arith.constant 1 : i32
      %add3A_140 = arith.addi %mul3A_138, %add3A_139 : i32
      %mul3A_141 = arith.constant 16 : i32
      %mul3A_142 = arith.muli %add3A_140, %mul3A_141 : i32
      %add3A_143 = vector.broadcast %mul3A_142 : i32 to vector<16xi32>
      %add3A_144 = arith.addi %iota3A, %add3A_143 : vector<16xi32>
      %or3A_145 = arith.ori %shift_left3A_136, %add3A_144 : vector<16xi32>
      %jit3A_146 = arith.constant 1 : i32
      %jit3A_147 = arith.constant 0 : i32
      %broadcast_in_dim3A_148 = vector.broadcast %jit3A_146 : i32 to vector<16xi32>
      %broadcast_in_dim3A_149 = vector.broadcast %jit3A_147 : i32 to vector<16xi32>
      %select_n3A_150 = arith.select %eq3A_114, %broadcast_in_dim3A_148, %broadcast_in_dim3A_149 : vector<16xi1>, vector<16xi32>
      %broadcast_in_dim3A_151 = arith.constant true
      %broadcast_in_dim3A_152 = vector.broadcast %broadcast_in_dim3A_151 : i1 to vector<16xi1>
      %masked_cumsum3A = tpu.scan <sum>, %select_n3A_150 masked %broadcast_in_dim3A_152 : vector<16xi32>, vector<16xi1> -> vector<16xi32>
      %jit3A_153 = arith.constant 1 : i32
      %jit3A_154 = arith.constant 0 : i32
      %broadcast_in_dim3A_155 = vector.broadcast %jit3A_153 : i32 to vector<16xi32>
      %broadcast_in_dim3A_156 = vector.broadcast %jit3A_154 : i32 to vector<16xi32>
      %select_n3A_157 = arith.select %eq3A_119, %broadcast_in_dim3A_155, %broadcast_in_dim3A_156 : vector<16xi1>, vector<16xi32>
      %broadcast_in_dim3A_158 = arith.constant true
      %broadcast_in_dim3A_159 = vector.broadcast %broadcast_in_dim3A_158 : i1 to vector<16xi1>
      %masked_cumsum3A_160 = tpu.scan <sum>, %select_n3A_157 masked %broadcast_in_dim3A_159 : vector<16xi32>, vector<16xi1> -> vector<16xi32>
      %sub3A_161 = arith.constant 1 : i32
      %sub3A_162 = arith.subi %scan3A_99, %sub3A_161 : i32
      %add3A_163 = vector.broadcast %sub3A_162 : i32 to vector<16xi32>
      %add3A_164 = arith.addi %add3A_163, %masked_cumsum3A : vector<16xi32>
      tpu.vector_store_idx %arg6[%add3A_164], %or3A masked %eq3A_114 : memref<16400xi32, #tpu.memory_space<vmem>>[vector<16xi32>], vector<16xi32>, vector<16xi1>
      %slice3A_165 = vector.extract_strided_slice %masked_cumsum3A {offsets = [15], sizes = [1], strides = [1]} : vector<16xi32> to vector<1xi32>
      %squeeze3A_166 = vector.extract %slice3A_165[0] : i32 from vector<1xi32>
      %add3A_167 = arith.addi %scan3A_99, %squeeze3A_166 : i32
      %sub3A_168 = arith.constant 1 : i32
      %sub3A_169 = arith.subi %add3A_167, %sub3A_168 : i32
      %add3A_170 = vector.broadcast %sub3A_169 : i32 to vector<16xi32>
      %add3A_171 = arith.addi %add3A_170, %masked_cumsum3A_160 : vector<16xi32>
      tpu.vector_store_idx %arg6[%add3A_171], %or3A_145 masked %eq3A_119 : memref<16400xi32, #tpu.memory_space<vmem>>[vector<16xi32>], vector<16xi32>, vector<16xi1>
      %slice3A_172 = vector.extract_strided_slice %masked_cumsum3A_160 {offsets = [15], sizes = [1], strides = [1]} : vector<16xi32> to vector<1xi32>
      %squeeze3A_173 = vector.extract %slice3A_172[0] : i32 from vector<1xi32>
      %add3A_174 = arith.addi %add3A_167, %squeeze3A_173 : i32
      scf.yield %add3A_174 : i32
    }
    %scan3A_6 = arith.constant 512 : i32
    %add3A_7 = arith.constant 15 : i32
    %add3A_8 = arith.addi %scan3A_5, %add3A_7 : i32
    %jit3A = arith.constant 16 : i32
    %div3A = arith.divsi %add3A_8, %jit3A : i32
    %sign3A = arith.constant 0 : i32
    %sign3A_9 = arith.cmpi sgt, %add3A_8, %sign3A : i32
    %sign3A_10 = arith.extui %sign3A_9 : i1 to i32
    %sign3A_11 = arith.constant 0 : i32
    %sign3A_12 = arith.cmpi slt, %add3A_8, %sign3A_11 : i32
    %sign3A_13 = arith.extui %sign3A_12 : i1 to i32
    %sign3A_14 = arith.subi %sign3A_10, %sign3A_13 : i32
    %sign3A_15 = arith.constant 0 : i32
    %sign3A_16 = arith.cmpi sgt, %jit3A, %sign3A_15 : i32
    %sign3A_17 = arith.extui %sign3A_16 : i1 to i32
    %sign3A_18 = arith.constant 0 : i32
    %sign3A_19 = arith.cmpi slt, %jit3A, %sign3A_18 : i32
    %sign3A_20 = arith.extui %sign3A_19 : i1 to i32
    %sign3A_21 = arith.subi %sign3A_17, %sign3A_20 : i32
    %ne3A = arith.cmpi ne, %sign3A_14, %sign3A_21 : i32
    %rem3A = arith.remsi %add3A_8, %jit3A : i32
    %ne3A_22 = arith.constant 0 : i32
    %ne3A_23 = arith.cmpi ne, %rem3A, %ne3A_22 : i32
    %and3A = arith.andi %ne3A, %ne3A_23 : i1
    %sub3A = arith.constant 1 : i32
    %sub3A_24 = arith.subi %div3A, %sub3A : i32
    %select_n3A = arith.select %and3A, %sub3A_24, %div3A : i32
    %add3A_25 = arith.constant 31 : i32
    %add3A_26 = arith.addi %scan3A_5, %add3A_25 : i32
    %jit3A_27 = arith.constant 32 : i32
    %div3A_28 = arith.divsi %add3A_26, %jit3A_27 : i32
    %sign3A_29 = arith.constant 0 : i32
    %sign3A_30 = arith.cmpi sgt, %add3A_26, %sign3A_29 : i32
    %sign3A_31 = arith.extui %sign3A_30 : i1 to i32
    %sign3A_32 = arith.constant 0 : i32
    %sign3A_33 = arith.cmpi slt, %add3A_26, %sign3A_32 : i32
    %sign3A_34 = arith.extui %sign3A_33 : i1 to i32
    %sign3A_35 = arith.subi %sign3A_31, %sign3A_34 : i32
    %sign3A_36 = arith.constant 0 : i32
    %sign3A_37 = arith.cmpi sgt, %jit3A_27, %sign3A_36 : i32
    %sign3A_38 = arith.extui %sign3A_37 : i1 to i32
    %sign3A_39 = arith.constant 0 : i32
    %sign3A_40 = arith.cmpi slt, %jit3A_27, %sign3A_39 : i32
    %sign3A_41 = arith.extui %sign3A_40 : i1 to i32
    %sign3A_42 = arith.subi %sign3A_38, %sign3A_41 : i32
    %ne3A_43 = arith.cmpi ne, %sign3A_35, %sign3A_42 : i32
    %rem3A_44 = arith.remsi %add3A_26, %jit3A_27 : i32
    %ne3A_45 = arith.constant 0 : i32
    %ne3A_46 = arith.cmpi ne, %rem3A_44, %ne3A_45 : i32
    %and3A_47 = arith.andi %ne3A_43, %ne3A_46 : i1
    %sub3A_48 = arith.constant 1 : i32
    %sub3A_49 = arith.subi %div3A_28, %sub3A_48 : i32
    %select_n3A_50 = arith.select %and3A_47, %sub3A_49, %div3A_28 : i32
    %add3A_51 = arith.constant 1 : i32
    %add3A_52 = vector.broadcast %add3A_51 : i32 to vector<16xi32>
    %add3A_53 = arith.addi %iota3A, %add3A_52 : vector<16xi32>
    %and3A_54 = arith.constant 15 : i32
    %and3A_55 = vector.broadcast %and3A_54 : i32 to vector<16xi32>
    %and3A_56 = arith.andi %add3A_53, %and3A_55 : vector<16xi32>
    %while3A = arith.constant 0 : i32
    %while3A_57 = arith.constant 0 : i32
    %while3A_58 = arith.subi %select_n3A, %while3A : i32
    %while3A_59 = arith.addi %while3A, %while3A_58 : i32
    %while3A_60 = arith.constant 1 : i32
    %while3A_61 = arith.divsi %while3A_58, %while3A_60 : i32
    %while3A_62 = arith.muli %while3A_61, %while3A_60 : i32
    %while3A_63 = arith.addi %while3A, %while3A_62 : i32
    %while3A_64 = arith.constant 1 : i32
    %while3A_65 = scf.for %while3A_98 = %while3A to %while3A_63 step %while3A_64 iter_args(%while3A_99 = %while3A_57) -> (i32)  : i32 {
      %mul3A_100 = arith.constant 16 : i32
      %mul3A_101 = arith.muli %while3A_98, %mul3A_100 : i32
      %get3A_102 = arith.index_cast %mul3A_101 : i32 to index
      %get3A_103 = tpu.vector_load %arg6[%get3A_102] {strides = array<i32>} : memref<16400xi32, #tpu.memory_space<vmem>>, vector<16xi32>,
      %mul3A_104 = arith.constant 16 : i32
      %mul3A_105 = arith.muli %while3A_98, %mul3A_104 : i32
      %add3A_106 = vector.broadcast %mul3A_105 : i32 to vector<16xi32>
      %add3A_107 = arith.addi %iota3A, %add3A_106 : vector<16xi32>
      %lt3A = vector.broadcast %scan3A_5 : i32 to vector<16xi32>
      %lt3A_108 = arith.cmpi slt, %add3A_107, %lt3A : vector<16xi32>
      %jit3A_109 = arith.constant 2147483647 : i32
      %broadcast_in_dim3A_110 = vector.broadcast %jit3A_109 : i32 to vector<16xi32>
      %select_n3A_111 = arith.select %lt3A_108, %get3A_103, %broadcast_in_dim3A_110 : vector<16xi1>, vector<16xi32>
      %sort3A = arith.constant dense<true> : vector<16xi1>
      %sort3A_112, %sort3A_113, %sort3A_114 = tpu.sort %select_n3A_111, %select_n3A_111 masked %sort3A : (vector<16xi32>, vector<16xi32>, vector<16xi1>) -> (vector<16xi1>, vector<16xi32>, vector<16xi32>)
      %broadcast_in_dim3A_115 = vector.shape_cast %and3A_56 : vector<16xi32> to vector<16x1xi32>
      %gather3A = vector.shape_cast %broadcast_in_dim3A_115 : vector<16x1xi32> to vector<16xi32>
      %gather3A_116 = tpu.dynamic_gather %sort3A_113[%gather3A] in [0] : vector<16xi32>, vector<16xi32> -> vector<16xi32>
      %shift_right_arithmetic3A = arith.constant 14 : i32
      %shift_right_arithmetic3A_117 = vector.broadcast %shift_right_arithmetic3A : i32 to vector<16xi32>
      %shift_right_arithmetic3A_118 = arith.shrsi %sort3A_113, %shift_right_arithmetic3A_117 : vector<16xi32>
      %shift_right_arithmetic3A_119 = arith.constant 14 : i32
      %shift_right_arithmetic3A_120 = vector.broadcast %shift_right_arithmetic3A_119 : i32 to vector<16xi32>
      %shift_right_arithmetic3A_121 = arith.shrsi %gather3A_116, %shift_right_arithmetic3A_120 : vector<16xi32>
      %eq3A = arith.cmpi eq, %shift_right_arithmetic3A_118, %shift_right_arithmetic3A_121 : vector<16xi32>
      %lt3A_122 = arith.constant 15 : i32
      %lt3A_123 = vector.broadcast %lt3A_122 : i32 to vector<16xi32>
      %lt3A_124 = arith.cmpi slt, %iota3A, %lt3A_123 : vector<16xi32>
      %and3A_125 = arith.andi %eq3A, %lt3A_124 : vector<16xi1>
      %ne3A_126 = arith.constant 2147483647 : i32
      %ne3A_127 = vector.broadcast %ne3A_126 : i32 to vector<16xi32>
      %ne3A_128 = arith.cmpi ne, %sort3A_113, %ne3A_127 : vector<16xi32>
      %not3A = arith.constant dense<true> : vector<16xi1>
      %not3A_129 = arith.xori %and3A_125, %not3A : vector<16xi1>
      %and3A_130 = arith.andi %ne3A_128, %not3A_129 : vector<16xi1>
      %shift_right_arithmetic3A_131 = arith.constant 14 : i32
      %shift_right_arithmetic3A_132 = vector.broadcast %shift_right_arithmetic3A_131 : i32 to vector<16xi32>
      %shift_right_arithmetic3A_133 = arith.shrsi %sort3A_113, %shift_right_arithmetic3A_132 : vector<16xi32>
      %and3A_134 = arith.constant 16383 : i32
      %and3A_135 = vector.broadcast %and3A_134 : i32 to vector<16xi32>
      %and3A_136 = arith.andi %sort3A_113, %and3A_135 : vector<16xi32>
      tpu.vector_store_idx %arg7[%shift_right_arithmetic3A_133], %and3A_136 masked %and3A_130 : memref<32768xi32, #tpu.memory_space<vmem>>[vector<16xi32>], vector<16xi32>, vector<16xi1>
      %while3A_137 = arith.constant 0 : i32
      scf.yield %while3A_137 : i32
    }
    %while3A_66 = arith.constant 1 : i32
    %while3A_67 = scf.for %while3A_98 = %while3A_63 to %while3A_59 step %while3A_66 iter_args(%while3A_99 = %while3A_65) -> (i32)  : i32 {
      %mul3A_100 = arith.constant 16 : i32
      %mul3A_101 = arith.muli %while3A_98, %mul3A_100 : i32
      %get3A_102 = arith.index_cast %mul3A_101 : i32 to index
      %get3A_103 = tpu.vector_load %arg6[%get3A_102] {strides = array<i32>} : memref<16400xi32, #tpu.memory_space<vmem>>, vector<16xi32>,
      %mul3A_104 = arith.constant 16 : i32
      %mul3A_105 = arith.muli %while3A_98, %mul3A_104 : i32
      %add3A_106 = vector.broadcast %mul3A_105 : i32 to vector<16xi32>
      %add3A_107 = arith.addi %iota3A, %add3A_106 : vector<16xi32>
      %lt3A = vector.broadcast %scan3A_5 : i32 to vector<16xi32>
      %lt3A_108 = arith.cmpi slt, %add3A_107, %lt3A : vector<16xi32>
      %jit3A_109 = arith.constant 2147483647 : i32
      %broadcast_in_dim3A_110 = vector.broadcast %jit3A_109 : i32 to vector<16xi32>
      %select_n3A_111 = arith.select %lt3A_108, %get3A_103, %broadcast_in_dim3A_110 : vector<16xi1>, vector<16xi32>
      %sort3A = arith.constant dense<true> : vector<16xi1>
      %sort3A_112, %sort3A_113, %sort3A_114 = tpu.sort %select_n3A_111, %select_n3A_111 masked %sort3A : (vector<16xi32>, vector<16xi32>, vector<16xi1>) -> (vector<16xi1>, vector<16xi32>, vector<16xi32>)
      %broadcast_in_dim3A_115 = vector.shape_cast %and3A_56 : vector<16xi32> to vector<16x1xi32>
      %gather3A = vector.shape_cast %broadcast_in_dim3A_115 : vector<16x1xi32> to vector<16xi32>
      %gather3A_116 = tpu.dynamic_gather %sort3A_113[%gather3A] in [0] : vector<16xi32>, vector<16xi32> -> vector<16xi32>
      %shift_right_arithmetic3A = arith.constant 14 : i32
      %shift_right_arithmetic3A_117 = vector.broadcast %shift_right_arithmetic3A : i32 to vector<16xi32>
      %shift_right_arithmetic3A_118 = arith.shrsi %sort3A_113, %shift_right_arithmetic3A_117 : vector<16xi32>
      %shift_right_arithmetic3A_119 = arith.constant 14 : i32
      %shift_right_arithmetic3A_120 = vector.broadcast %shift_right_arithmetic3A_119 : i32 to vector<16xi32>
      %shift_right_arithmetic3A_121 = arith.shrsi %gather3A_116, %shift_right_arithmetic3A_120 : vector<16xi32>
      %eq3A = arith.cmpi eq, %shift_right_arithmetic3A_118, %shift_right_arithmetic3A_121 : vector<16xi32>
      %lt3A_122 = arith.constant 15 : i32
      %lt3A_123 = vector.broadcast %lt3A_122 : i32 to vector<16xi32>
      %lt3A_124 = arith.cmpi slt, %iota3A, %lt3A_123 : vector<16xi32>
      %and3A_125 = arith.andi %eq3A, %lt3A_124 : vector<16xi1>
      %ne3A_126 = arith.constant 2147483647 : i32
      %ne3A_127 = vector.broadcast %ne3A_126 : i32 to vector<16xi32>
      %ne3A_128 = arith.cmpi ne, %sort3A_113, %ne3A_127 : vector<16xi32>
      %not3A = arith.constant dense<true> : vector<16xi1>
      %not3A_129 = arith.xori %and3A_125, %not3A : vector<16xi1>
      %and3A_130 = arith.andi %ne3A_128, %not3A_129 : vector<16xi1>
      %shift_right_arithmetic3A_131 = arith.constant 14 : i32
      %shift_right_arithmetic3A_132 = vector.broadcast %shift_right_arithmetic3A_131 : i32 to vector<16xi32>
      %shift_right_arithmetic3A_133 = arith.shrsi %sort3A_113, %shift_right_arithmetic3A_132 : vector<16xi32>
      %and3A_134 = arith.constant 16383 : i32
      %and3A_135 = vector.broadcast %and3A_134 : i32 to vector<16xi32>
      %and3A_136 = arith.andi %sort3A_113, %and3A_135 : vector<16xi32>
      tpu.vector_store_idx %arg7[%shift_right_arithmetic3A_133], %and3A_136 masked %and3A_130 : memref<32768xi32, #tpu.memory_space<vmem>>[vector<16xi32>], vector<16xi32>, vector<16xi1>
      %while3A_137 = arith.constant 0 : i32
      scf.yield %while3A_137 : i32
    }
    %get3A = arith.constant 0 : index
    %get3A_68 = tpu.vector_load %arg6[%get3A] {strides = array<i32>} : memref<16400xi32, #tpu.memory_space<vmem>>, vector<16xi32>,
    %slice3A = vector.extract_strided_slice %get3A_68 {offsets = [0], sizes = [1], strides = [1]} : vector<16xi32> to vector<1xi32>
    %squeeze3A = vector.extract %slice3A[0] : i32 from vector<1xi32>
    %broadcast_in_dim3A = vector.broadcast %squeeze3A : i32 to vector<16xi32>
    %gt3A = arith.constant 0 : i32
    %gt3A_69 = arith.cmpi sgt, %select_n3A_50, %gt3A : i32
    %convert_element_type3A = arith.extui %gt3A_69 : i1 to i32
    %cond3A = arith.constant 0 : i32
    %cond3A_70 = arith.cmpi ne, %convert_element_type3A, %cond3A : i32
    scf.if %cond3A_70 {
      %scan3A_98 = arith.constant 0 : i32
      %scan3A_99 = arith.constant 0 : i32
      %scan3A_100 = arith.constant 2 : i32
      %scan3A_101 = arith.addi %scan3A_99, %scan3A_100 : i32
      %scan3A_102 = arith.constant 1 : i32
      %scan3A_103 = scf.for %scan3A_116 = %scan3A_99 to %scan3A_101 step %scan3A_102 iter_args(%scan3A_117 = %scan3A_98) -> (i32)  : i32 {
        %add3A_118 = arith.constant 0 : i32
        %add3A_119 = arith.addi %add3A_118, %scan3A_116 : i32
        %mul3A_120 = arith.constant 16 : i32
        %mul3A_121 = arith.muli %add3A_119, %mul3A_120 : i32
        %get3A_122 = arith.index_cast %mul3A_121 : i32 to index
        %get3A_123 = tpu.vector_load %arg6[%get3A_122] {strides = array<i32>} : memref<16400xi32, #tpu.memory_space<vmem>>, vector<16xi32>,
        %mul3A_124 = arith.constant 16 : i32
        %mul3A_125 = arith.muli %add3A_119, %mul3A_124 : i32
        %add3A_126 = vector.broadcast %mul3A_125 : i32 to vector<16xi32>
        %add3A_127 = arith.addi %iota3A, %add3A_126 : vector<16xi32>
        %lt3A = vector.broadcast %scan3A_5 : i32 to vector<16xi32>
        %lt3A_128 = arith.cmpi slt, %add3A_127, %lt3A : vector<16xi32>
        %select_n3A_129 = arith.select %lt3A_128, %get3A_123, %broadcast_in_dim3A : vector<16xi1>, vector<16xi32>
        %shift_right_arithmetic3A = arith.constant 14 : i32
        %shift_right_arithmetic3A_130 = vector.broadcast %shift_right_arithmetic3A : i32 to vector<16xi32>
        %shift_right_arithmetic3A_131 = arith.shrsi %select_n3A_129, %shift_right_arithmetic3A_130 : vector<16xi32>
        %gather3A = tpu.vector_load_idx %arg7[%shift_right_arithmetic3A_131] : memref<32768xi32, #tpu.memory_space<vmem>>[vector<16xi32>], vector<16xi32>,
        %mul3A_132 = arith.constant 16 : i32
        %mul3A_133 = arith.muli %scan3A_116, %mul3A_132 : i32
        %swap3A = arith.constant 0 : i32
        %swap3A_134 = arith.index_cast %swap3A : i32 to index
        %swap3A_135 = arith.index_cast %mul3A_133 : i32 to index
        %swap3A_136 = tpu.vector_load %arg8[%swap3A_134, %swap3A_135] {strides = array<i32>} : memref<4x32xi32, #tpu.memory_space<vmem>>, vector<16xi32>,
        tpu.vector_store %arg8[%swap3A_134, %swap3A_135], %gather3A {strides = array<i32>} : memref<4x32xi32, #tpu.memory_space<vmem>>, vector<16xi32>,
        %and3A_137 = arith.constant 16383 : i32
        %and3A_138 = vector.broadcast %and3A_137 : i32 to vector<16xi32>
        %and3A_139 = arith.andi %select_n3A_129, %and3A_138 : vector<16xi32>
        %mul3A_140 = arith.constant 16 : i32
        %mul3A_141 = arith.muli %scan3A_116, %mul3A_140 : i32
        %swap3A_142 = arith.constant 0 : i32
        %swap3A_143 = arith.index_cast %swap3A_142 : i32 to index
        %swap3A_144 = arith.index_cast %mul3A_141 : i32 to index
        %swap3A_145 = tpu.vector_load %arg9[%swap3A_143, %swap3A_144] {strides = array<i32>} : memref<4x32xi32, #tpu.memory_space<vmem>>, vector<16xi32>,
        tpu.vector_store %arg9[%swap3A_143, %swap3A_144], %and3A_139 {strides = array<i32>} : memref<4x32xi32, #tpu.memory_space<vmem>>, vector<16xi32>,
        %scan3A_146 = arith.constant 0 : i32
        scf.yield %scan3A_146 : i32
      }
      %scan3A_104 = arith.constant 2 : i32
      %dma_start3A = arith.constant 0 : i32
      %dma_start3A_105 = arith.constant 0 : i32
      %dma_start3A_106 = arith.constant 0 : i32
      %dma_start3A_107 = arith.constant 0 : i32
      %dma_start3A_108 = tpu.memref_slice %arg10[%dma_start3A_105, %dma_start3A_106, %dma_start3A_107] : memref<4x32x64xf32, #tpu.memory_space<vmem>> -> memref<1x32x64xf32, #tpu.memory_space<vmem>>
      %dma_start3A_109 = tpu.memref_squeeze %dma_start3A_108 : memref<1x32x64xf32, #tpu.memory_space<vmem>> -> memref<32x64xf32, #tpu.memory_space<vmem>>
      %dma_start3A_110 = arith.constant 0 : i32
      %dma_start3A_111 = tpu.memref_slice %arg8[%dma_start3A, %dma_start3A_110] : memref<4x32xi32, #tpu.memory_space<vmem>> -> memref<1x32xi32, #tpu.memory_space<vmem>>
      %dma_start3A_112 = tpu.memref_squeeze %dma_start3A_111 : memref<1x32xi32, #tpu.memory_space<vmem>> -> memref<32xi32, #tpu.memory_space<vmem>>
      %dma_start3A_113 = arith.constant 0 : i32
      %dma_start3A_114 = arith.constant 0 : i32
      %dma_start3A_115 = tpu.memref_slice %arg3[%dma_start3A_113, %dma_start3A_114] : memref<16384x64xf32, #tpu.memory_space<hbm>> -> memref<16384x64xf32, #tpu.memory_space<hbm>>
      tpu.enqueue_indirect_dma source(%dma_start3A_115 : memref<16384x64xf32, #tpu.memory_space<hbm>>) target(%dma_start3A_109 : memref<32x64xf32, #tpu.memory_space<vmem>>) offsets(%dma_start3A_112 : memref<32xi32, #tpu.memory_space<vmem>>) semaphore(%arg11 : memref<!tpu.dma_semaphore, #tpu.memory_space<semaphore_mem>>)
    } else {
    }
    %gt3A_71 = arith.constant 1 : i32
    %gt3A_72 = arith.cmpi sgt, %select_n3A_50, %gt3A_71 : i32
    %convert_element_type3A_73 = arith.extui %gt3A_72 : i1 to i32
    %cond3A_74 = arith.constant 0 : i32
    %cond3A_75 = arith.cmpi ne, %convert_element_type3A_73, %cond3A_74 : i32
    scf.if %cond3A_75 {
      %scan3A_98 = arith.constant 0 : i32
      %scan3A_99 = arith.constant 0 : i32
      %scan3A_100 = arith.constant 2 : i32
      %scan3A_101 = arith.addi %scan3A_99, %scan3A_100 : i32
      %scan3A_102 = arith.constant 1 : i32
      %scan3A_103 = scf.for %scan3A_116 = %scan3A_99 to %scan3A_101 step %scan3A_102 iter_args(%scan3A_117 = %scan3A_98) -> (i32)  : i32 {
        %add3A_118 = arith.constant 2 : i32
        %add3A_119 = arith.addi %add3A_118, %scan3A_116 : i32
        %mul3A_120 = arith.constant 16 : i32
        %mul3A_121 = arith.muli %add3A_119, %mul3A_120 : i32
        %get3A_122 = arith.index_cast %mul3A_121 : i32 to index
        %get3A_123 = tpu.vector_load %arg6[%get3A_122] {strides = array<i32>} : memref<16400xi32, #tpu.memory_space<vmem>>, vector<16xi32>,
        %mul3A_124 = arith.constant 16 : i32
        %mul3A_125 = arith.muli %add3A_119, %mul3A_124 : i32
        %add3A_126 = vector.broadcast %mul3A_125 : i32 to vector<16xi32>
        %add3A_127 = arith.addi %iota3A, %add3A_126 : vector<16xi32>
        %lt3A = vector.broadcast %scan3A_5 : i32 to vector<16xi32>
        %lt3A_128 = arith.cmpi slt, %add3A_127, %lt3A : vector<16xi32>
        %select_n3A_129 = arith.select %lt3A_128, %get3A_123, %broadcast_in_dim3A : vector<16xi1>, vector<16xi32>
        %shift_right_arithmetic3A = arith.constant 14 : i32
        %shift_right_arithmetic3A_130 = vector.broadcast %shift_right_arithmetic3A : i32 to vector<16xi32>
        %shift_right_arithmetic3A_131 = arith.shrsi %select_n3A_129, %shift_right_arithmetic3A_130 : vector<16xi32>
        %gather3A = tpu.vector_load_idx %arg7[%shift_right_arithmetic3A_131] : memref<32768xi32, #tpu.memory_space<vmem>>[vector<16xi32>], vector<16xi32>,
        %mul3A_132 = arith.constant 16 : i32
        %mul3A_133 = arith.muli %scan3A_116, %mul3A_132 : i32
        %swap3A = arith.constant 1 : i32
        %swap3A_134 = arith.index_cast %swap3A : i32 to index
        %swap3A_135 = arith.index_cast %mul3A_133 : i32 to index
        %swap3A_136 = tpu.vector_load %arg8[%swap3A_134, %swap3A_135] {strides = array<i32>} : memref<4x32xi32, #tpu.memory_space<vmem>>, vector<16xi32>,
        tpu.vector_store %arg8[%swap3A_134, %swap3A_135], %gather3A {strides = array<i32>} : memref<4x32xi32, #tpu.memory_space<vmem>>, vector<16xi32>,
        %and3A_137 = arith.constant 16383 : i32
        %and3A_138 = vector.broadcast %and3A_137 : i32 to vector<16xi32>
        %and3A_139 = arith.andi %select_n3A_129, %and3A_138 : vector<16xi32>
        %mul3A_140 = arith.constant 16 : i32
        %mul3A_141 = arith.muli %scan3A_116, %mul3A_140 : i32
        %swap3A_142 = arith.constant 1 : i32
        %swap3A_143 = arith.index_cast %swap3A_142 : i32 to index
        %swap3A_144 = arith.index_cast %mul3A_141 : i32 to index
        %swap3A_145 = tpu.vector_load %arg9[%swap3A_143, %swap3A_144] {strides = array<i32>} : memref<4x32xi32, #tpu.memory_space<vmem>>, vector<16xi32>,
        tpu.vector_store %arg9[%swap3A_143, %swap3A_144], %and3A_139 {strides = array<i32>} : memref<4x32xi32, #tpu.memory_space<vmem>>, vector<16xi32>,
        %scan3A_146 = arith.constant 0 : i32
        scf.yield %scan3A_146 : i32
      }
      %scan3A_104 = arith.constant 2 : i32
      %dma_start3A = arith.constant 1 : i32
      %dma_start3A_105 = arith.constant 1 : i32
      %dma_start3A_106 = arith.constant 0 : i32
      %dma_start3A_107 = arith.constant 0 : i32
      %dma_start3A_108 = tpu.memref_slice %arg10[%dma_start3A_105, %dma_start3A_106, %dma_start3A_107] : memref<4x32x64xf32, #tpu.memory_space<vmem>> -> memref<1x32x64xf32, #tpu.memory_space<vmem>>
      %dma_start3A_109 = tpu.memref_squeeze %dma_start3A_108 : memref<1x32x64xf32, #tpu.memory_space<vmem>> -> memref<32x64xf32, #tpu.memory_space<vmem>>
      %dma_start3A_110 = arith.constant 0 : i32
      %dma_start3A_111 = tpu.memref_slice %arg8[%dma_start3A, %dma_start3A_110] : memref<4x32xi32, #tpu.memory_space<vmem>> -> memref<1x32xi32, #tpu.memory_space<vmem>>
      %dma_start3A_112 = tpu.memref_squeeze %dma_start3A_111 : memref<1x32xi32, #tpu.memory_space<vmem>> -> memref<32xi32, #tpu.memory_space<vmem>>
      %dma_start3A_113 = arith.constant 0 : i32
      %dma_start3A_114 = arith.constant 0 : i32
      %dma_start3A_115 = tpu.memref_slice %arg3[%dma_start3A_113, %dma_start3A_114] : memref<16384x64xf32, #tpu.memory_space<hbm>> -> memref<16384x64xf32, #tpu.memory_space<hbm>>
      tpu.enqueue_indirect_dma source(%dma_start3A_115 : memref<16384x64xf32, #tpu.memory_space<hbm>>) target(%dma_start3A_109 : memref<32x64xf32, #tpu.memory_space<vmem>>) offsets(%dma_start3A_112 : memref<32xi32, #tpu.memory_space<vmem>>) semaphore(%arg11 : memref<!tpu.dma_semaphore, #tpu.memory_space<semaphore_mem>>)
    } else {
    }
    %while3A_76 = arith.constant 0 : i32
    %while3A_77 = arith.constant 0 : i32
    %while3A_78 = arith.subi %select_n3A_50, %while3A_76 : i32
    %while3A_79 = arith.addi %while3A_76, %while3A_78 : i32
    %while3A_80 = arith.constant 1 : i32
    %while3A_81 = arith.divsi %while3A_78, %while3A_80 : i32
    %while3A_82 = arith.muli %while3A_81, %while3A_80 : i32
    %while3A_83 = arith.addi %while3A_76, %while3A_82 : i32
    %while3A_84 = arith.constant 1 : i32
    %while3A_85 = scf.for %while3A_98 = %while3A_76 to %while3A_83 step %while3A_84 iter_args(%while3A_99 = %while3A_77) -> (i32)  : i32 {
      %and3A_100 = arith.constant 3 : i32
      %and3A_101 = arith.andi %while3A_98, %and3A_100 : i32
      %dma_wait3A = arith.constant 0 : i32
      %dma_wait3A_102 = arith.constant 0 : i32
      %dma_wait3A_103 = tpu.memref_slice %arg10[%and3A_101, %dma_wait3A, %dma_wait3A_102] : memref<4x32x64xf32, #tpu.memory_space<vmem>> -> memref<1x32x64xf32, #tpu.memory_space<vmem>>
      %dma_wait3A_104 = tpu.memref_squeeze %dma_wait3A_103 : memref<1x32x64xf32, #tpu.memory_space<vmem>> -> memref<32x64xf32, #tpu.memory_space<vmem>>
      %dma_wait3A_105 = arith.constant 0 : i32
      %dma_wait3A_106 = tpu.memref_slice %arg8[%and3A_101, %dma_wait3A_105] : memref<4x32xi32, #tpu.memory_space<vmem>> -> memref<1x32xi32, #tpu.memory_space<vmem>>
      %dma_wait3A_107 = tpu.memref_squeeze %dma_wait3A_106 : memref<1x32xi32, #tpu.memory_space<vmem>> -> memref<32xi32, #tpu.memory_space<vmem>>
      %dma_wait3A_108 = arith.constant 0 : i32
      %dma_wait3A_109 = arith.constant 0 : i32
      %dma_wait3A_110 = tpu.memref_slice %arg3[%dma_wait3A_108, %dma_wait3A_109] : memref<16384x64xf32, #tpu.memory_space<hbm>> -> memref<16384x64xf32, #tpu.memory_space<hbm>>
      tpu.wait_indirect_dma semaphore(%arg11 : memref<!tpu.dma_semaphore, #tpu.memory_space<semaphore_mem>>) src(%dma_wait3A_110 : memref<16384x64xf32, #tpu.memory_space<hbm>>) dst(%dma_wait3A_104 : memref<32x64xf32, #tpu.memory_space<vmem>>)
      %ge3A = arith.constant 2 : i32
      %ge3A_111 = arith.cmpi sge, %while3A_98, %ge3A : i32
      %convert_element_type3A_112 = arith.extui %ge3A_111 : i1 to i32
      %cond3A_113 = arith.constant 0 : i32
      %cond3A_114 = arith.cmpi ne, %convert_element_type3A_112, %cond3A_113 : i32
      scf.if %cond3A_114 {
        %dma_wait3A_130 = arith.constant 0 : i32
        %dma_wait3A_131 = arith.constant 0 : i32
        %dma_wait3A_132 = tpu.memref_slice %arg10[%and3A_101, %dma_wait3A_130, %dma_wait3A_131] : memref<4x32x64xf32, #tpu.memory_space<vmem>> -> memref<1x32x64xf32, #tpu.memory_space<vmem>>
        %dma_wait3A_133 = tpu.memref_squeeze %dma_wait3A_132 : memref<1x32x64xf32, #tpu.memory_space<vmem>> -> memref<32x64xf32, #tpu.memory_space<vmem>>
        %dma_wait3A_134 = arith.constant 0 : i32
        %dma_wait3A_135 = tpu.memref_slice %arg9[%and3A_101, %dma_wait3A_134] : memref<4x32xi32, #tpu.memory_space<vmem>> -> memref<1x32xi32, #tpu.memory_space<vmem>>
        %dma_wait3A_136 = tpu.memref_squeeze %dma_wait3A_135 : memref<1x32xi32, #tpu.memory_space<vmem>> -> memref<32xi32, #tpu.memory_space<vmem>>
        %dma_wait3A_137 = arith.constant 0 : i32
        %dma_wait3A_138 = arith.constant 0 : i32
        %dma_wait3A_139 = tpu.memref_slice %arg4[%dma_wait3A_137, %dma_wait3A_138] : memref<16384x64xf32, #tpu.memory_space<hbm>> -> memref<16384x64xf32, #tpu.memory_space<hbm>>
        tpu.wait_indirect_dma semaphore(%arg12 : memref<!tpu.dma_semaphore, #tpu.memory_space<semaphore_mem>>) src(%dma_wait3A_133 : memref<32x64xf32, #tpu.memory_space<vmem>>) dst(%dma_wait3A_139 : memref<16384x64xf32, #tpu.memory_space<hbm>>)
      } else {
      }
      %dma_start3A = arith.constant 0 : i32
      %dma_start3A_115 = arith.constant 0 : i32
      %dma_start3A_116 = tpu.memref_slice %arg10[%and3A_101, %dma_start3A, %dma_start3A_115] : memref<4x32x64xf32, #tpu.memory_space<vmem>> -> memref<1x32x64xf32, #tpu.memory_space<vmem>>
      %dma_start3A_117 = tpu.memref_squeeze %dma_start3A_116 : memref<1x32x64xf32, #tpu.memory_space<vmem>> -> memref<32x64xf32, #tpu.memory_space<vmem>>
      %dma_start3A_118 = arith.constant 0 : i32
      %dma_start3A_119 = tpu.memref_slice %arg9[%and3A_101, %dma_start3A_118] : memref<4x32xi32, #tpu.memory_space<vmem>> -> memref<1x32xi32, #tpu.memory_space<vmem>>
      %dma_start3A_120 = tpu.memref_squeeze %dma_start3A_119 : memref<1x32xi32, #tpu.memory_space<vmem>> -> memref<32xi32, #tpu.memory_space<vmem>>
      %dma_start3A_121 = arith.constant 0 : i32
      %dma_start3A_122 = arith.constant 0 : i32
      %dma_start3A_123 = tpu.memref_slice %arg4[%dma_start3A_121, %dma_start3A_122] : memref<16384x64xf32, #tpu.memory_space<hbm>> -> memref<16384x64xf32, #tpu.memory_space<hbm>>
      tpu.enqueue_indirect_dma source(%dma_start3A_117 : memref<32x64xf32, #tpu.memory_space<vmem>>) target(%dma_start3A_123 : memref<16384x64xf32, #tpu.memory_space<hbm>>) offsets(%dma_start3A_120 : memref<32xi32, #tpu.memory_space<vmem>>) semaphore(%arg12 : memref<!tpu.dma_semaphore, #tpu.memory_space<semaphore_mem>>)
      %add3A_124 = arith.constant 2 : i32
      %add3A_125 = arith.addi %while3A_98, %add3A_124 : i32
      %lt3A = arith.cmpi slt, %add3A_125, %select_n3A_50 : i32
      %convert_element_type3A_126 = arith.extui %lt3A : i1 to i32
      %cond3A_127 = arith.constant 0 : i32
      %cond3A_128 = arith.cmpi ne, %convert_element_type3A_126, %cond3A_127 : i32
      scf.if %cond3A_128 {
        %add3A_130 = arith.constant 2 : i32
        %add3A_131 = arith.addi %while3A_98, %add3A_130 : i32
        %and3A_132 = arith.constant 3 : i32
        %and3A_133 = arith.andi %add3A_131, %and3A_132 : i32
        %add3A_134 = arith.constant 2 : i32
        %add3A_135 = arith.addi %while3A_98, %add3A_134 : i32
        %scan3A_136 = arith.constant 0 : i32
        %scan3A_137 = arith.constant 0 : i32
        %scan3A_138 = arith.constant 2 : i32
        %scan3A_139 = arith.addi %scan3A_137, %scan3A_138 : i32
        %scan3A_140 = arith.constant 1 : i32
        %scan3A_141 = scf.for %scan3A_153 = %scan3A_137 to %scan3A_139 step %scan3A_140 iter_args(%scan3A_154 = %scan3A_136) -> (i32)  : i32 {
          %mul3A_155 = arith.constant 2 : i32
          %mul3A_156 = arith.muli %add3A_135, %mul3A_155 : i32
          %add3A_157 = arith.addi %mul3A_156, %scan3A_153 : i32
          %mul3A_158 = arith.constant 16 : i32
          %mul3A_159 = arith.muli %add3A_157, %mul3A_158 : i32
          %get3A_160 = arith.index_cast %mul3A_159 : i32 to index
          %get3A_161 = tpu.vector_load %arg6[%get3A_160] {strides = array<i32>} : memref<16400xi32, #tpu.memory_space<vmem>>, vector<16xi32>,
          %mul3A_162 = arith.constant 16 : i32
          %mul3A_163 = arith.muli %add3A_157, %mul3A_162 : i32
          %add3A_164 = vector.broadcast %mul3A_163 : i32 to vector<16xi32>
          %add3A_165 = arith.addi %iota3A, %add3A_164 : vector<16xi32>
          %lt3A_166 = vector.broadcast %scan3A_5 : i32 to vector<16xi32>
          %lt3A_167 = arith.cmpi slt, %add3A_165, %lt3A_166 : vector<16xi32>
          %select_n3A_168 = arith.select %lt3A_167, %get3A_161, %broadcast_in_dim3A : vector<16xi1>, vector<16xi32>
          %shift_right_arithmetic3A = arith.constant 14 : i32
          %shift_right_arithmetic3A_169 = vector.broadcast %shift_right_arithmetic3A : i32 to vector<16xi32>
          %shift_right_arithmetic3A_170 = arith.shrsi %select_n3A_168, %shift_right_arithmetic3A_169 : vector<16xi32>
          %gather3A = tpu.vector_load_idx %arg7[%shift_right_arithmetic3A_170] : memref<32768xi32, #tpu.memory_space<vmem>>[vector<16xi32>], vector<16xi32>,
          %mul3A_171 = arith.constant 16 : i32
          %mul3A_172 = arith.muli %scan3A_153, %mul3A_171 : i32
          %swap3A = arith.index_cast %and3A_133 : i32 to index
          %swap3A_173 = arith.index_cast %mul3A_172 : i32 to index
          %swap3A_174 = tpu.vector_load %arg8[%swap3A, %swap3A_173] {strides = array<i32>} : memref<4x32xi32, #tpu.memory_space<vmem>>, vector<16xi32>,
          tpu.vector_store %arg8[%swap3A, %swap3A_173], %gather3A {strides = array<i32>} : memref<4x32xi32, #tpu.memory_space<vmem>>, vector<16xi32>,
          %and3A_175 = arith.constant 16383 : i32
          %and3A_176 = vector.broadcast %and3A_175 : i32 to vector<16xi32>
          %and3A_177 = arith.andi %select_n3A_168, %and3A_176 : vector<16xi32>
          %mul3A_178 = arith.constant 16 : i32
          %mul3A_179 = arith.muli %scan3A_153, %mul3A_178 : i32
          %swap3A_180 = arith.index_cast %and3A_133 : i32 to index
          %swap3A_181 = arith.index_cast %mul3A_179 : i32 to index
          %swap3A_182 = tpu.vector_load %arg9[%swap3A_180, %swap3A_181] {strides = array<i32>} : memref<4x32xi32, #tpu.memory_space<vmem>>, vector<16xi32>,
          tpu.vector_store %arg9[%swap3A_180, %swap3A_181], %and3A_177 {strides = array<i32>} : memref<4x32xi32, #tpu.memory_space<vmem>>, vector<16xi32>,
          %scan3A_183 = arith.constant 0 : i32
          scf.yield %scan3A_183 : i32
        }
        %scan3A_142 = arith.constant 2 : i32
        %dma_start3A_143 = arith.constant 0 : i32
        %dma_start3A_144 = arith.constant 0 : i32
        %dma_start3A_145 = tpu.memref_slice %arg10[%and3A_133, %dma_start3A_143, %dma_start3A_144] : memref<4x32x64xf32, #tpu.memory_space<vmem>> -> memref<1x32x64xf32, #tpu.memory_space<vmem>>
        %dma_start3A_146 = tpu.memref_squeeze %dma_start3A_145 : memref<1x32x64xf32, #tpu.memory_space<vmem>> -> memref<32x64xf32, #tpu.memory_space<vmem>>
        %dma_start3A_147 = arith.constant 0 : i32
        %dma_start3A_148 = tpu.memref_slice %arg8[%and3A_133, %dma_start3A_147] : memref<4x32xi32, #tpu.memory_space<vmem>> -> memref<1x32xi32, #tpu.memory_space<vmem>>
        %dma_start3A_149 = tpu.memref_squeeze %dma_start3A_148 : memref<1x32xi32, #tpu.memory_space<vmem>> -> memref<32xi32, #tpu.memory_space<vmem>>
        %dma_start3A_150 = arith.constant 0 : i32
        %dma_start3A_151 = arith.constant 0 : i32
        %dma_start3A_152 = tpu.memref_slice %arg3[%dma_start3A_150, %dma_start3A_151] : memref<16384x64xf32, #tpu.memory_space<hbm>> -> memref<16384x64xf32, #tpu.memory_space<hbm>>
        tpu.enqueue_indirect_dma source(%dma_start3A_152 : memref<16384x64xf32, #tpu.memory_space<hbm>>) target(%dma_start3A_146 : memref<32x64xf32, #tpu.memory_space<vmem>>) offsets(%dma_start3A_149 : memref<32xi32, #tpu.memory_space<vmem>>) semaphore(%arg11 : memref<!tpu.dma_semaphore, #tpu.memory_space<semaphore_mem>>)
      } else {
      }
      %while3A_129 = arith.constant 0 : i32
      scf.yield %while3A_129 : i32
    }
    %while3A_86 = arith.constant 1 : i32
    %while3A_87 = scf.for %while3A_98 = %while3A_83 to %while3A_79 step %while3A_86 iter_args(%while3A_99 = %while3A_85) -> (i32)  : i32 {
      %and3A_100 = arith.constant 3 : i32
      %and3A_101 = arith.andi %while3A_98, %and3A_100 : i32
      %dma_wait3A = arith.constant 0 : i32
      %dma_wait3A_102 = arith.constant 0 : i32
      %dma_wait3A_103 = tpu.memref_slice %arg10[%and3A_101, %dma_wait3A, %dma_wait3A_102] : memref<4x32x64xf32, #tpu.memory_space<vmem>> -> memref<1x32x64xf32, #tpu.memory_space<vmem>>
      %dma_wait3A_104 = tpu.memref_squeeze %dma_wait3A_103 : memref<1x32x64xf32, #tpu.memory_space<vmem>> -> memref<32x64xf32, #tpu.memory_space<vmem>>
      %dma_wait3A_105 = arith.constant 0 : i32
      %dma_wait3A_106 = tpu.memref_slice %arg8[%and3A_101, %dma_wait3A_105] : memref<4x32xi32, #tpu.memory_space<vmem>> -> memref<1x32xi32, #tpu.memory_space<vmem>>
      %dma_wait3A_107 = tpu.memref_squeeze %dma_wait3A_106 : memref<1x32xi32, #tpu.memory_space<vmem>> -> memref<32xi32, #tpu.memory_space<vmem>>
      %dma_wait3A_108 = arith.constant 0 : i32
      %dma_wait3A_109 = arith.constant 0 : i32
      %dma_wait3A_110 = tpu.memref_slice %arg3[%dma_wait3A_108, %dma_wait3A_109] : memref<16384x64xf32, #tpu.memory_space<hbm>> -> memref<16384x64xf32, #tpu.memory_space<hbm>>
      tpu.wait_indirect_dma semaphore(%arg11 : memref<!tpu.dma_semaphore, #tpu.memory_space<semaphore_mem>>) src(%dma_wait3A_110 : memref<16384x64xf32, #tpu.memory_space<hbm>>) dst(%dma_wait3A_104 : memref<32x64xf32, #tpu.memory_space<vmem>>)
      %ge3A = arith.constant 2 : i32
      %ge3A_111 = arith.cmpi sge, %while3A_98, %ge3A : i32
      %convert_element_type3A_112 = arith.extui %ge3A_111 : i1 to i32
      %cond3A_113 = arith.constant 0 : i32
      %cond3A_114 = arith.cmpi ne, %convert_element_type3A_112, %cond3A_113 : i32
      scf.if %cond3A_114 {
        %dma_wait3A_130 = arith.constant 0 : i32
        %dma_wait3A_131 = arith.constant 0 : i32
        %dma_wait3A_132 = tpu.memref_slice %arg10[%and3A_101, %dma_wait3A_130, %dma_wait3A_131] : memref<4x32x64xf32, #tpu.memory_space<vmem>> -> memref<1x32x64xf32, #tpu.memory_space<vmem>>
        %dma_wait3A_133 = tpu.memref_squeeze %dma_wait3A_132 : memref<1x32x64xf32, #tpu.memory_space<vmem>> -> memref<32x64xf32, #tpu.memory_space<vmem>>
        %dma_wait3A_134 = arith.constant 0 : i32
        %dma_wait3A_135 = tpu.memref_slice %arg9[%and3A_101, %dma_wait3A_134] : memref<4x32xi32, #tpu.memory_space<vmem>> -> memref<1x32xi32, #tpu.memory_space<vmem>>
        %dma_wait3A_136 = tpu.memref_squeeze %dma_wait3A_135 : memref<1x32xi32, #tpu.memory_space<vmem>> -> memref<32xi32, #tpu.memory_space<vmem>>
        %dma_wait3A_137 = arith.constant 0 : i32
        %dma_wait3A_138 = arith.constant 0 : i32
        %dma_wait3A_139 = tpu.memref_slice %arg4[%dma_wait3A_137, %dma_wait3A_138] : memref<16384x64xf32, #tpu.memory_space<hbm>> -> memref<16384x64xf32, #tpu.memory_space<hbm>>
        tpu.wait_indirect_dma semaphore(%arg12 : memref<!tpu.dma_semaphore, #tpu.memory_space<semaphore_mem>>) src(%dma_wait3A_133 : memref<32x64xf32, #tpu.memory_space<vmem>>) dst(%dma_wait3A_139 : memref<16384x64xf32, #tpu.memory_space<hbm>>)
      } else {
      }
      %dma_start3A = arith.constant 0 : i32
      %dma_start3A_115 = arith.constant 0 : i32
      %dma_start3A_116 = tpu.memref_slice %arg10[%and3A_101, %dma_start3A, %dma_start3A_115] : memref<4x32x64xf32, #tpu.memory_space<vmem>> -> memref<1x32x64xf32, #tpu.memory_space<vmem>>
      %dma_start3A_117 = tpu.memref_squeeze %dma_start3A_116 : memref<1x32x64xf32, #tpu.memory_space<vmem>> -> memref<32x64xf32, #tpu.memory_space<vmem>>
      %dma_start3A_118 = arith.constant 0 : i32
      %dma_start3A_119 = tpu.memref_slice %arg9[%and3A_101, %dma_start3A_118] : memref<4x32xi32, #tpu.memory_space<vmem>> -> memref<1x32xi32, #tpu.memory_space<vmem>>
      %dma_start3A_120 = tpu.memref_squeeze %dma_start3A_119 : memref<1x32xi32, #tpu.memory_space<vmem>> -> memref<32xi32, #tpu.memory_space<vmem>>
      %dma_start3A_121 = arith.constant 0 : i32
      %dma_start3A_122 = arith.constant 0 : i32
      %dma_start3A_123 = tpu.memref_slice %arg4[%dma_start3A_121, %dma_start3A_122] : memref<16384x64xf32, #tpu.memory_space<hbm>> -> memref<16384x64xf32, #tpu.memory_space<hbm>>
      tpu.enqueue_indirect_dma source(%dma_start3A_117 : memref<32x64xf32, #tpu.memory_space<vmem>>) target(%dma_start3A_123 : memref<16384x64xf32, #tpu.memory_space<hbm>>) offsets(%dma_start3A_120 : memref<32xi32, #tpu.memory_space<vmem>>) semaphore(%arg12 : memref<!tpu.dma_semaphore, #tpu.memory_space<semaphore_mem>>)
      %add3A_124 = arith.constant 2 : i32
      %add3A_125 = arith.addi %while3A_98, %add3A_124 : i32
      %lt3A = arith.cmpi slt, %add3A_125, %select_n3A_50 : i32
      %convert_element_type3A_126 = arith.extui %lt3A : i1 to i32
      %cond3A_127 = arith.constant 0 : i32
      %cond3A_128 = arith.cmpi ne, %convert_element_type3A_126, %cond3A_127 : i32
      scf.if %cond3A_128 {
        %add3A_130 = arith.constant 2 : i32
        %add3A_131 = arith.addi %while3A_98, %add3A_130 : i32
        %and3A_132 = arith.constant 3 : i32
        %and3A_133 = arith.andi %add3A_131, %and3A_132 : i32
        %add3A_134 = arith.constant 2 : i32
        %add3A_135 = arith.addi %while3A_98, %add3A_134 : i32
        %scan3A_136 = arith.constant 0 : i32
        %scan3A_137 = arith.constant 0 : i32
        %scan3A_138 = arith.constant 2 : i32
        %scan3A_139 = arith.addi %scan3A_137, %scan3A_138 : i32
        %scan3A_140 = arith.constant 1 : i32
        %scan3A_141 = scf.for %scan3A_153 = %scan3A_137 to %scan3A_139 step %scan3A_140 iter_args(%scan3A_154 = %scan3A_136) -> (i32)  : i32 {
          %mul3A_155 = arith.constant 2 : i32
          %mul3A_156 = arith.muli %add3A_135, %mul3A_155 : i32
          %add3A_157 = arith.addi %mul3A_156, %scan3A_153 : i32
          %mul3A_158 = arith.constant 16 : i32
          %mul3A_159 = arith.muli %add3A_157, %mul3A_158 : i32
          %get3A_160 = arith.index_cast %mul3A_159 : i32 to index
          %get3A_161 = tpu.vector_load %arg6[%get3A_160] {strides = array<i32>} : memref<16400xi32, #tpu.memory_space<vmem>>, vector<16xi32>,
          %mul3A_162 = arith.constant 16 : i32
          %mul3A_163 = arith.muli %add3A_157, %mul3A_162 : i32
          %add3A_164 = vector.broadcast %mul3A_163 : i32 to vector<16xi32>
          %add3A_165 = arith.addi %iota3A, %add3A_164 : vector<16xi32>
          %lt3A_166 = vector.broadcast %scan3A_5 : i32 to vector<16xi32>
          %lt3A_167 = arith.cmpi slt, %add3A_165, %lt3A_166 : vector<16xi32>
          %select_n3A_168 = arith.select %lt3A_167, %get3A_161, %broadcast_in_dim3A : vector<16xi1>, vector<16xi32>
          %shift_right_arithmetic3A = arith.constant 14 : i32
          %shift_right_arithmetic3A_169 = vector.broadcast %shift_right_arithmetic3A : i32 to vector<16xi32>
          %shift_right_arithmetic3A_170 = arith.shrsi %select_n3A_168, %shift_right_arithmetic3A_169 : vector<16xi32>
          %gather3A = tpu.vector_load_idx %arg7[%shift_right_arithmetic3A_170] : memref<32768xi32, #tpu.memory_space<vmem>>[vector<16xi32>], vector<16xi32>,
          %mul3A_171 = arith.constant 16 : i32
          %mul3A_172 = arith.muli %scan3A_153, %mul3A_171 : i32
          %swap3A = arith.index_cast %and3A_133 : i32 to index
          %swap3A_173 = arith.index_cast %mul3A_172 : i32 to index
          %swap3A_174 = tpu.vector_load %arg8[%swap3A, %swap3A_173] {strides = array<i32>} : memref<4x32xi32, #tpu.memory_space<vmem>>, vector<16xi32>,
          tpu.vector_store %arg8[%swap3A, %swap3A_173], %gather3A {strides = array<i32>} : memref<4x32xi32, #tpu.memory_space<vmem>>, vector<16xi32>,
          %and3A_175 = arith.constant 16383 : i32
          %and3A_176 = vector.broadcast %and3A_175 : i32 to vector<16xi32>
          %and3A_177 = arith.andi %select_n3A_168, %and3A_176 : vector<16xi32>
          %mul3A_178 = arith.constant 16 : i32
          %mul3A_179 = arith.muli %scan3A_153, %mul3A_178 : i32
          %swap3A_180 = arith.index_cast %and3A_133 : i32 to index
          %swap3A_181 = arith.index_cast %mul3A_179 : i32 to index
          %swap3A_182 = tpu.vector_load %arg9[%swap3A_180, %swap3A_181] {strides = array<i32>} : memref<4x32xi32, #tpu.memory_space<vmem>>, vector<16xi32>,
          tpu.vector_store %arg9[%swap3A_180, %swap3A_181], %and3A_177 {strides = array<i32>} : memref<4x32xi32, #tpu.memory_space<vmem>>, vector<16xi32>,
          %scan3A_183 = arith.constant 0 : i32
          scf.yield %scan3A_183 : i32
        }
        %scan3A_142 = arith.constant 2 : i32
        %dma_start3A_143 = arith.constant 0 : i32
        %dma_start3A_144 = arith.constant 0 : i32
        %dma_start3A_145 = tpu.memref_slice %arg10[%and3A_133, %dma_start3A_143, %dma_start3A_144] : memref<4x32x64xf32, #tpu.memory_space<vmem>> -> memref<1x32x64xf32, #tpu.memory_space<vmem>>
        %dma_start3A_146 = tpu.memref_squeeze %dma_start3A_145 : memref<1x32x64xf32, #tpu.memory_space<vmem>> -> memref<32x64xf32, #tpu.memory_space<vmem>>
        %dma_start3A_147 = arith.constant 0 : i32
        %dma_start3A_148 = tpu.memref_slice %arg8[%and3A_133, %dma_start3A_147] : memref<4x32xi32, #tpu.memory_space<vmem>> -> memref<1x32xi32, #tpu.memory_space<vmem>>
        %dma_start3A_149 = tpu.memref_squeeze %dma_start3A_148 : memref<1x32xi32, #tpu.memory_space<vmem>> -> memref<32xi32, #tpu.memory_space<vmem>>
        %dma_start3A_150 = arith.constant 0 : i32
        %dma_start3A_151 = arith.constant 0 : i32
        %dma_start3A_152 = tpu.memref_slice %arg3[%dma_start3A_150, %dma_start3A_151] : memref<16384x64xf32, #tpu.memory_space<hbm>> -> memref<16384x64xf32, #tpu.memory_space<hbm>>
        tpu.enqueue_indirect_dma source(%dma_start3A_152 : memref<16384x64xf32, #tpu.memory_space<hbm>>) target(%dma_start3A_146 : memref<32x64xf32, #tpu.memory_space<vmem>>) offsets(%dma_start3A_149 : memref<32xi32, #tpu.memory_space<vmem>>) semaphore(%arg11 : memref<!tpu.dma_semaphore, #tpu.memory_space<semaphore_mem>>)
      } else {
      }
      %while3A_129 = arith.constant 0 : i32
      scf.yield %while3A_129 : i32
    }
    %gt3A_88 = arith.constant 0 : i32
    %gt3A_89 = arith.cmpi sgt, %select_n3A_50, %gt3A_88 : i32
    %convert_element_type3A_90 = arith.extui %gt3A_89 : i1 to i32
    %cond3A_91 = arith.constant 0 : i32
    %cond3A_92 = arith.cmpi ne, %convert_element_type3A_90, %cond3A_91 : i32
    scf.if %cond3A_92 {
      %dma_wait3A = arith.constant 0 : i32
      %dma_wait3A_98 = arith.constant 0 : i32
      %dma_wait3A_99 = arith.constant 0 : i32
      %dma_wait3A_100 = arith.constant 0 : i32
      %dma_wait3A_101 = tpu.memref_slice %arg10[%dma_wait3A, %dma_wait3A_99, %dma_wait3A_100] : memref<4x32x64xf32, #tpu.memory_space<vmem>> -> memref<1x32x64xf32, #tpu.memory_space<vmem>>
      %dma_wait3A_102 = tpu.memref_squeeze %dma_wait3A_101 : memref<1x32x64xf32, #tpu.memory_space<vmem>> -> memref<32x64xf32, #tpu.memory_space<vmem>>
      %dma_wait3A_103 = arith.constant 0 : i32
      %dma_wait3A_104 = tpu.memref_slice %arg9[%dma_wait3A_98, %dma_wait3A_103] : memref<4x32xi32, #tpu.memory_space<vmem>> -> memref<1x32xi32, #tpu.memory_space<vmem>>
      %dma_wait3A_105 = tpu.memref_squeeze %dma_wait3A_104 : memref<1x32xi32, #tpu.memory_space<vmem>> -> memref<32xi32, #tpu.memory_space<vmem>>
      %dma_wait3A_106 = arith.constant 0 : i32
      %dma_wait3A_107 = arith.constant 0 : i32
      %dma_wait3A_108 = tpu.memref_slice %arg4[%dma_wait3A_106, %dma_wait3A_107] : memref<16384x64xf32, #tpu.memory_space<hbm>> -> memref<16384x64xf32, #tpu.memory_space<hbm>>
      tpu.wait_indirect_dma semaphore(%arg12 : memref<!tpu.dma_semaphore, #tpu.memory_space<semaphore_mem>>) src(%dma_wait3A_102 : memref<32x64xf32, #tpu.memory_space<vmem>>) dst(%dma_wait3A_108 : memref<16384x64xf32, #tpu.memory_space<hbm>>)
    } else {
    }
    %gt3A_93 = arith.constant 1 : i32
    %gt3A_94 = arith.cmpi sgt, %select_n3A_50, %gt3A_93 : i32
    %convert_element_type3A_95 = arith.extui %gt3A_94 : i1 to i32
    %cond3A_96 = arith.constant 0 : i32
    %cond3A_97 = arith.cmpi ne, %convert_element_type3A_95, %cond3A_96 : i32
    scf.if %cond3A_97 {
      %dma_wait3A = arith.constant 1 : i32
      %dma_wait3A_98 = arith.constant 1 : i32
      %dma_wait3A_99 = arith.constant 0 : i32
      %dma_wait3A_100 = arith.constant 0 : i32
      %dma_wait3A_101 = tpu.memref_slice %arg10[%dma_wait3A, %dma_wait3A_99, %dma_wait3A_100] : memref<4x32x64xf32, #tpu.memory_space<vmem>> -> memref<1x32x64xf32, #tpu.memory_space<vmem>>
      %dma_wait3A_102 = tpu.memref_squeeze %dma_wait3A_101 : memref<1x32x64xf32, #tpu.memory_space<vmem>> -> memref<32x64xf32, #tpu.memory_space<vmem>>
      %dma_wait3A_103 = arith.constant 0 : i32
      %dma_wait3A_104 = tpu.memref_slice %arg9[%dma_wait3A_98, %dma_wait3A_103] : memref<4x32xi32, #tpu.memory_space<vmem>> -> memref<1x32xi32, #tpu.memory_space<vmem>>
      %dma_wait3A_105 = tpu.memref_squeeze %dma_wait3A_104 : memref<1x32xi32, #tpu.memory_space<vmem>> -> memref<32xi32, #tpu.memory_space<vmem>>
      %dma_wait3A_106 = arith.constant 0 : i32
      %dma_wait3A_107 = arith.constant 0 : i32
      %dma_wait3A_108 = tpu.memref_slice %arg4[%dma_wait3A_106, %dma_wait3A_107] : memref<16384x64xf32, #tpu.memory_space<hbm>> -> memref<16384x64xf32, #tpu.memory_space<hbm>>
      tpu.wait_indirect_dma semaphore(%arg12 : memref<!tpu.dma_semaphore, #tpu.memory_space<semaphore_mem>>) src(%dma_wait3A_102 : memref<32x64xf32, #tpu.memory_space<vmem>>) dst(%dma_wait3A_108 : memref<16384x64xf32, #tpu.memory_space<hbm>>)
    } else {
    }
    return
  }
}

</mosaic_0001>

<sc_bundles>
// kernel: kernel.3.cloned.1.call-start
scs
__scs_entry_jumppad:
0x0: {  	(pc) =	sbr.rel $0x88, $3  }
0x1: {  	(tag) =	ssettag $0x0;
	lr =	simm.s32 $0x1  }
0x2: {  	[smem:$0x3F9F] =	sst lr;
	_ =	strace $0xD0000000  }
0x3: {  	_ = 	snop  }
0x4: {  	_ = 	snop  }
0x5: {  	_ = 	snop  }
0x6: {  	_ = 	snop  }
0x7: {  	_ = 	snop  }
__scs_overlays_trampoline_lowered:
0x8: {  	[smem:$0x3FAE] =	sst s0  }
0x9: {  	[smem:$0x3FAF] =	sst s1  }
0xa: {  	[smem:$0x3FB0] =	sst s2  }
0xb: {  	[smem:$0x3FB1] =	sst s3  }
0xc: {  	[smem:$0x3FB2] =	sst s4  }
0xd: {  	[smem:$0x3FB3] =	sst s5  }
0xe: {  	[smem:$0x3FB4] =	sst s6  }
0xf: {  	[smem:$0x3FB5] =	sst s7  }
0x10: {  	[smem:$0x3FB6] =	sst s8  }
0x11: {  	[smem:$0x3FB7] =	sst s9;
	s0 =	simm.s32 @!p0 $0x0  }
0x12: {  	s1 =	sld [smem:$0x3F9D];
	s0 =	simm.s32 @p0 $0x1  }
0x13: {  	[smem:$0x3FB8] =	sst s0;
	s0 =	simm.s32 @!p1 $0x0  }
0x14: {  	s2 =	sld [smem:$0x3F9C];
	s0 =	simm.s32 @p1 $0x1  }
0x15: {  	[smem:$0x3FB9] =	sst s0;
	s0 =	simm.s32 @!p2 $0x0  }
0x16: {  	s3 =	sld [smem:$0x3FDB];
	s0 =	simm.s32 @p2 $0x1  }
0x17: {  	s4 =	simm.s32 $0x1BF5;
	[smem:$0x3FBB] =	sst s0  }
0x18: {  	s0 =	sld [smem:$0x3F9E];
	_ =	swait.ge [sflag:s4], $0x0  }
0x19: {  	s7 =	sld [smem:$0x3F9F]  }
0x1a: {  	s8 =	sadd.s32 $0xFFFFE003, lr  }
0x1b: {  	s9 =	sadd.s32 $0xFFFFFEF7, lr;
	s5 =	simm.s32 $0xFFFFFFFF;
	p2 =	slt.u32 s8, $0xFFFFF086  }
0x1c: {  	p1 =	slt.u32 s9, $0xF7A;
	s5 =	simm.s32 @!p2 $0x0  }
0x1d: {  	s5 =	simm.s32 @p1 $0x1;
	p0 =	seq.s32 s7, s2  }
0x1e: {  	s7 =	smul.u32 @!p0 $0xF7A, s2;
	p2 =	seq.s32 @!p0 s5, $0x0  }
0x1f: {  	s9 =	smul.u32 $0xF7A, s1;
	s8 =	simm.s32 @!p0 $0x1BF5;
	p2 =	por !p2, p0  }
0x20: {  	[sflag:s8] =	ssyncset.s32 @!p0 $0xFFFFF086;
	s6 =	sadd.s32 @!p0 s3, s7;
	s7 =	simm.s32 @!p0 $0x108  }
0x21: {  	s3 =	sadd.s32 s3, s9;
	s6 =	sadd.s32 @!p0 $0x88, s6;
	s7 =	simm.s32 @p2 $0x1082  }
0x22: {  	[simem:s7], [sflag:s8] =	dma.local @!p0 [hbm:s6], $0xF7A  }
0x23: {  	s9 =	sor.u32 $0xD0000000, s2;
	s6 =	simm.s32 $0x108;
	_ =	swait.ge @!p0 [sflag:s8], $0x0  }
0x24: {  	s3 =	sadd.s32 $0x88, s3;
	s6 =	simm.s32 @!p1 $0x1082;
	[sflag:s4] =	ssyncset.s32 $0xFFFFF086  }
0x25: {  	[simem:s6], [sflag:s4] =	dma.local [hbm:s3], $0xF7A  }
0x26: {  	[smem:$0x3F9F] =	sst s1;
	(tag) =	ssettag s2;
	_ =	strace s9  }
0x27: {  	s1 =	sld [smem:$0x3FAF]  }
0x28: {  	s2 =	sld [smem:$0x3FB0]  }
0x29: {  	s4 =	sld [smem:$0x3FB2]  }
0x2a: {  	p0 =	seq.s32 s5, $0x0;
	s5 =	sld [smem:$0x3FB3]  }
0x2b: {  	s6 =	sld [smem:$0x3FB4]  }
0x2c: {  	s7 =	sld [smem:$0x3FB5]  }
0x2d: {  	s3 =	simm.s32 $0x108;
	s8 =	sld [smem:$0x3FB6]  }
0x2e: {  	s3 =	simm.s32 @!p0 $0x1082;
	s9 =	sld [smem:$0x3FB7]  }
0x2f: {  	lr =	sadd.s32 s0, s3;
	s0 =	sld [smem:$0x3FAE]  }
0x30: {  	s3 =	sld [smem:$0x3FB1]  }
0x31: {  	[smem:$0x3FBA] =	sst s10  }
0x32: {  	s10 =	sld [smem:$0x3FB8];
	_ =	sdelay $0x3  }
0x33: {  	p0 =	seq.s32 s10, $0x1;
	s10 =	sld [smem:$0x3FBA];
	_ =	sdelay $0x3  }
0x34: {  	[smem:$0x3FBA] =	sst s10  }
0x35: {  	s10 =	sld [smem:$0x3FB9];
	_ =	sdelay $0x3  }
0x36: {  	p1 =	seq.s32 s10, $0x1;
	s10 =	sld [smem:$0x3FBA];
	_ =	sdelay $0x3  }
0x37: {  	[smem:$0x3FBA] =	sst s10  }
0x38: {  	s10 =	sld [smem:$0x3FBB]  }
0x39: {  	_ = 	snop;
	(pc) =	sbr.ind lr, $3  }
0x3a: {  	_ = 	snop  }
0x3b: {  	_ = 	snop  }
0x3c: {  	p2 =	seq.s32 s10, $0x1;
	s10 =	sld [smem:$0x3FBA]  }
0x3d: {  	_ =	shalt  }
0x3e: {  	_ =	shalt  }
0x3f: {  	_ =	shalt  }
0x40: {  	_ =	shalt  }
0x41: {  	_ =	shalt  }
0x42: {  	_ =	shalt  }
0x43: {  	_ =	shalt  }
0x44: {  	_ =	shalt  }
0x45: {  	_ =	shalt  }
0x46: {  	_ =	shalt  }
0x47: {  	_ =	shalt  }
0x48: {  	_ =	shalt  }
0x49: {  	_ =	shalt  }
0x4a: {  	_ =	shalt  }
0x4b: {  	_ =	shalt  }
0x4c: {  	_ =	shalt  }
0x4d: {  	_ =	shalt  }
0x4e: {  	_ =	shalt  }
0x4f: {  	_ =	shalt  }
0x50: {  	_ =	shalt  }
0x51: {  	_ =	shalt  }
0x52: {  	_ =	shalt  }
0x53: {  	_ =	shalt  }
0x54: {  	_ =	shalt  }
0x55: {  	_ =	shalt  }
0x56: {  	_ =	shalt  }
0x57: {  	_ =	shalt  }
0x58: {  	_ =	shalt  }
0x59: {  	_ =	shalt  }
0x5a: {  	_ =	shalt  }
0x5b: {  	_ =	shalt  }
0x5c: {  	_ =	shalt  }
0x5d: {  	_ =	shalt  }
0x5e: {  	_ =	shalt  }
0x5f: {  	_ =	shalt  }
0x60: {  	_ =	shalt  }
0x61: {  	_ =	shalt  }
0x62: {  	_ =	shalt  }
0x63: {  	_ =	shalt  }
0x64: {  	_ =	shalt  }
0x65: {  	_ =	shalt  }
0x66: {  	_ =	shalt  }
0x67: {  	_ =	shalt  }
0x68: {  	_ =	shalt  }
0x69: {  	_ =	shalt  }
0x6a: {  	_ =	shalt  }
0x6b: {  	_ =	shalt  }
0x6c: {  	_ =	shalt  }
0x6d: {  	_ =	shalt  }
0x6e: {  	_ =	shalt  }
0x6f: {  	_ =	shalt  }
0x70: {  	_ =	shalt  }
0x71: {  	_ =	shalt  }
0x72: {  	_ =	shalt  }
0x73: {  	_ =	shalt  }
0x74: {  	_ =	shalt  }
0x75: {  	_ =	shalt  }
0x76: {  	_ =	shalt  }
0x77: {  	_ =	shalt  }
0x78: {  	_ =	shalt  }
0x79: {  	_ =	shalt  }
0x7a: {  	_ =	shalt  }
0x7b: {  	_ =	shalt  }
0x7c: {  	_ =	shalt  }
0x7d: {  	_ =	shalt  }
0x7e: {  	_ =	shalt  }
0x7f: {  	_ =	shalt  }
0x80: {  	_ =	shalt  }
0x81: {  	_ =	shalt  }
0x82: {  	_ =	shalt  }
0x83: {  	_ =	shalt  }
0x84: {  	_ =	shalt  }
0x85: {  	_ =	shalt  }
0x86: {  	_ =	shalt  }
0x87: {  	_ =	shalt  }
.Lfunc_end0:
.L_simem_size_0:
called_computation_lowered:
.L_overlay_start_0:
0x88: {  	s2 =	sld [smem:$0x3FD9]  }
0x89: {  	s3 =	sld [smem:$0x3FFE];
	_ =	sdelay $0x1  }
0x8a: {  	s1 =	srdreg.scid  }
0x8b: {  	s0 =	sand.u32 $0x1, s1  }
0x8c: {  	s17 =	sshll.u32 s0, $0xA;
	s2 =	sadd.s32 s3, s2  }
0x8d: {  	s2 =	sadd.s32 s2, s17  }
0x8e: {  	[smem:$0x3FC6] =	sst s2  }
0x8f: {  	_ = 	snop  }
0x90: {  	s2 =	sld [smem:$0x3FC9]  }
0x91: {  	s18 =	sld [smem:$0x3FD0];
	(tm) =	ssettm $0x1  }
0x92: {  	s4 =	sld [smem:$0x3FFB];
	_ =	sdelay $0x3  }
0x93: {  	_ =	strace s4  }
0x94: {  	s4 =	sld [smem:$0x3FFC];
	_ =	sdelay $0x3  }
0x95: {  	_ =	strace s4  }
0x96: {  	s4 =	sld [smem:$0x3FFD];
	_ =	sdelay $0x3  }
0x97: {  	_ =	strace s4  }
0x98: {  	_ =	strace $0x8FFFFFFF  }
0x99: {  	s19 =	sld [smem:$0x3FDB];
	_ =	sdelay $0x1  }
0x9a: {  	s5 =	simm.s32 $_scs_section_size  }
0x9b: {  	s6 =	simm.s32 $_size__tile_overlayer_lowered;
	s7 =	simm.s32 $_tile_overlayer_lowered  }
0x9c: {  	s22 =	simm.s32 $0x1BFF;
	s21 =	sshll.u32 s7, $0x1;
	s4 =	sadd.s32 s5, s19  }
0x9d: {  	s8 =	simm.s32 $0x0;
	s20 =	sshll.u32 s6, $0x1;
	s6 =	sadd.s32 s21, s4  }
0x9e: {  	[timem:s8], [sflag:s22] =	dma.local [hbm:s6], s20  }
0x9f: {  	_ =	swait.ge [sflag:s22], s20  }
0xa0: {  	s5 =	ssub.s32 $0x0, s20;
	[sflag:s22] =	ssyncset.done $0x0  }
0xa1: {  	[sflag:s22] =	ssyncadd.s32 s5;
	_ =	sdelay $0x1  }
0xa2: {  	s23 =	simm.s32 $0x1B8B  }
0xa3: {  	_ =	swait.ge [sflag:s23], $0x1  }
0xa4: {  	[sflag:s23] =	ssyncset.done $0x0  }
0xa5: {  	s25 =	simm.s32 $0x1B8E;
	s24 =	sld [smem:$0x3FFE];
	[sflag:s23] =	ssyncadd.s32 $0xFFFFFFFF  }
0xa6: {  	s26 =	simm.s32 $execute0_lowered;
	[smem:$0x3FD2] =	sst s25  }
0xa7: {  	s6 =	sshll.u32 s26, $0x1;
	_ =	strace $0x80000046;
	[dreg:$0x1] =	wrdreg $0xFFFFFFFF  }
0xa8: {  	s28 =	simm.s32 $_size_execute0_lowered;
	s4 =	sadd.s32 s4, s6;
	[dreg:$0x0] =	wrdreg $0x0  }
0xa9: {  	s6 =	sshll.u32 s28, $0x1;
	[dreg:$0x2] =	wrdreg s4  }
0xaa: {  	[dreg:$0x3] =	wrdreg s6  }
0xab: {  	[dreg:$0x4] =	wrdreg $0xC0  }
0xac: {  	_ =	task [dreg:s8], $0x5FFFF  }
0xad: {  	[dreg:$0x1] =	wrdreg $0xFFFFFFFF  }
0xae: {  	[dreg:$0x0] =	wrdreg $0x60  }
0xaf: {  	[dreg:$0x2] =	wrdreg s2  }
0xb0: {  	[dreg:$0x3] =	wrdreg s18  }
0xb1: {  	[dreg:$0x4] =	wrdreg s24  }
0xb2: {  	[dreg:$0x5] =	wrdreg $0x9  }
0xb3: {  	_ =	task.clear_ibuf [dreg:s8], $0x6FFFF;
	_ =	strace $0x90000046  }
0xb4: {  	s29 =	simm.s32 $0x9;
	_ =	strace $0x80000048  }
0xb5: {  	_ =	swait.ge [sflag:s29], $0x1  }
0xb6: {  	[sflag:s29] =	ssyncadd.s32 $0xFFFFFFFF  }
0xb7: {  	_ =	strace $0x90000048  }
0xb8: {  	_ =	sfence  }
0xb9: {  	s30 =	sld [smem:$0x0];
	_ =	sdelay $0x2  }
0xba: {  	s31 =	sshll.u32 s1, $0xD;
	s1 =	sshrl.u32 s1, $0x2  }
0xbb: {  	s3 =	sand.u32 $0x4000, s31;
	s1 =	sadd.s32 s1, s30  }
0xbc: {  	s0 =	sor.u32 s3, s0;
	s1 =	sshll.u32 s1, $0x11  }
0xbd: {  	s0 =	sor.u32 s1, s0  }
0xbe: {  	s0 =	sadd.s32 $0x8F2B, s0  }
0xbf: {  	[sflag:s0] =	ssyncadd.remote.s32 $0x1  }
0xc0: {  	_ =	sfence.sel $0xFFFF  }
0xc1: {  	[dreg:$0x0] =	wrdreg $0xFFFFFFFF;
	(pc) =	sbr.abs _section_cstart, $3  }
0xc2: {  	[dreg:$0x1] =	wrdreg $0xFFFFFFFF  }
0xc3: {  	_ =	task.clear_ibuf [dreg:s8], $0x2FFFF;
	_ =	strace $0x9FFFFFFF  }
0xc4: {  	(tm) =	ssettm $0x7FFFFFFF  }
0xc5: {  	_ =	shalt  }
tec
execute0_lowered:
.L_overlay_start_1:
0x0: {  	(tag) =	ssettag $0x1  }
0x1: {  	s1 =	rddreg [dreg:$0x0]  }
0x2: {  	s2 =	rddreg [dreg:$0x1];
	s0 =	srdreg.scid  }
0x3: {  	s4 =	rddreg [dreg:$0x2];
	s3 =	stileid.u32  }
0x4: {  	s8 =	simm.s32 $0x4000;
	s9 =	simm.s32 $0x1;
	s11 =	simm.s32 $0x20  }
0x5: {  	v0 =	vimm.s32 $0xFEDCBA9;
	v1 =	vimm.s32 $0x87654321;
	s12 =	simm.s32 $0x10010;
	s13 =	simm.s32 $0x10110;
	s14 =	simm.s32 $0x2  }
.Ltmp0:
0x6: {  	s15 =	simm.s32 $0x0;
	s5 =	sand.u32 $0x1, s0;
	v0 =	vunpack.c.l.s4.s8 v0;
	v1 =	vunpack.c.l.s4.s8 v1;
	(pc) =	sbr.rel .LBB2_1-.Ltmp0, $4  }
0x7: {  	s0 =	rddreg [dreg:$0x3];
	s31 =	sshll.u32 s3, $0x1;
	s6 =	ssub.s32 $0x2, s5  }
0x8: {  	_ =	strace $0x80000047;
	s10 =	sor.u32 s5, s31;
	s7 =	sshrl.u32 s6, $0x1;
	v3 =	vunpack.c.0.s8.s32 v0;
	v4 =	vunpack.c.0.s8.s32 v1  }
0x9: {  	v2 =	vimm.s32 $0x0;
	s4 =	sadd.s32 $0x400, s4;
	v0 =	vmov s10;
	v1 =	vlaneseq.u32;
	s10 =	simm.s32 $0x8010;
	s6 =	ssub.s32 s6, s7  }
0xa: {  	vm0 =	vcmask $0x3F3C;
	s7 =	simm.s32 $0x3;
	s5 =	smax.u32 s6, $0x1;
	s6 =	simm.s32 $0x0;
	v3 =	vcombine.low v4, v3;
	v4 =	vor.u32 $0x10, v1  }
.LBB2_14:
0xb: {  	s15 =	sadd.s32 $0x1, s15  }
0xc: {  	p0 =	sne.s32 s15, s5  }
.Ltmp1:
0xd: {  	_ = 	snop;
	(pc) =	sbr.rel @!p0 .LBB2_15-.Ltmp1, $1  }
0xe: {  	_ =	sdelay $0x3  }
.LBB2_1:
0xf: {  	[tilespmem:s6], [sflag:$0x3] =	stream.linear.gather [hbm4b:s1+s6], $0x4000, $0x38;
	[tilespmem:$0x12110] =	vst v63  }
0x10: {  	_ =	swait.ge [sflag:s7], $0x4000  }
0x11: {  	[sflag:s7] =	ssyncset.done $0x0  }
0x12: {  	s17 =	simm.s32 $0x10;
	[sflag:s7] =	ssyncadd.s32 $0xFFFFC000  }
0x13: {  	v5 =	vld [tilespmem:s17+$0xFFFFFFF0];
	_ =	sdelay $0x3  }
0x14: {  	v6 =	vld [tilespmem:s17+$0x0]  }
0x15: {  	v7 =	vshra.s32 v5, $0xF  }
0x16: {  	vm2 =	veq.s32 v7, v0  }
0x17: {  	v8 =	vsel vm2, $0x1, v2  }
0x18: {  	(xrf0) =	vadd.scan.msk.s32 $0xffff, v8  }
0x19: {  	v7 =	vshra.s32 v6, $0xF  }
0x1a: {  	vm1 =	veq.s32 v7, v0  }
0x1b: {  	v7 =	vsel vm1, $0x1, v2;
	_ =	sdelay $0x1  }
0x1c: {  	(xrf0) =	vadd.scan.msk.s32 $0xffff, v7  }
0x1d: {  	v7, _, _ =	vpop (xrf0)  }
0x1e: {  	(v2sf) =	vpush v7, $0xF;
	_ =	sdelay $0x3  }
0x1f: {  	v8, _, _ =	vpop (xrf0)  }
0x20: {  	(v2sf) =	vpush v8, $0xF;
	_ =	sdelay $0x6  }
0x21: {  	s16 =	simm.s32 $0xFFFFFFFF  }
0x22: {  	v7 =	vadd.s32 s16, v7  }
0x23: {  	v5 =	vshll.u32 v5, $0xE  }
0x24: {  	v5 =	vand.u32 $0x1FFFC000, v5;
	s31 =	spop (v2sf)  }
0x25: {  	v5 =	vor.u32 s6, v5;
	s16 =	sadd.s32 $0x0, s31  }
0x26: {  	v5 =	vor.u32 v1, v5;
	s20 =	sadd.s32 $0xFFFFFFFF, s16  }
0x27: {  	v6 =	vshll.u32 v6, $0xE;
	[tilespmem:v7+s8+$0x0] =	vst.idx.msk vm2, v5;
	v5 =	vadd.s32 s20, v8  }
0x28: {  	s18 =	simm.s32 $0x10;
	v6 =	vand.u32 $0x1FFFC000, v6  }
0x29: {  	v6 =	vor.u32 s18, v6;
	s19 =	spop (v2sf)  }
0x2a: {  	s18 =	simm.s32 $0x20;
	v6 =	vor.u32 v1, v6;
	s16 =	sadd.s32 s19, s16  }
.LBB2_2:
0x2b: {  	p0 =	sne.s32 s18, $0x3FE0  }
0x2c: {  	[tilespmem:v5+s8+$0x0] =	vst.idx.msk vm1, v6;
	s17 =	sadd.s32 $0x20, s17;
	s19 =	smov.u32 s18;
	s18 =	sadd.s32 $0x20, s18  }
0x2d: {  	v5 =	vld [tilespmem:s17+$0xFFFFFFF0]  }
0x2e: {  	v6 =	vld [tilespmem:s17+$0x0];
	_ =	sdelay $0x3  }
0x2f: {  	v7 =	vshra.s32 v5, $0xF;
	v5 =	vshll.u32 v5, $0xE  }
0x30: {  	vm2 =	veq.s32 v7, v0;
	v7 =	vshra.s32 v6, $0xF;
	v5 =	vand.u32 $0x1FFFC000, v5  }
0x31: {  	v6 =	vshll.u32 v6, $0xE;
	vm1 =	veq.s32 v7, v0;
	v7 =	vsel vm2, $0x1, v2  }
0x32: {  	s20 =	sadd.s32 $0x10, s19;
	v5 =	vor.u32 s19, v5;
	v6 =	vand.u32 $0x1FFFC000, v6;
	v8 =	vsel vm1, $0x1, v2;
	(xrf0) =	vadd.scan.msk.s32 $0xffff, v7  }
0x33: {  	v6 =	vor.u32 s20, v6;
	(xrf0) =	vadd.scan.msk.s32 $0xffff, v8;
	_ =	sdelay $0x4  }
0x34: {  	s19 =	sadd.s32 $0xFFFFFFFF, s16;
	v7, _, _ =	vpop (xrf0)  }
0x35: {  	v8 =	vadd.s32 s19, v7;
	v9, _, _ =	vpop (xrf0);
	(v2sf) =	vpush v7, $0xF  }
0x36: {  	(v2sf) =	vpush v9, $0xF;
	_ =	sdelay $0x2  }
0x37: {  	v5 =	vor.u32 v1, v5  }
0x38: {  	[tilespmem:v8+s8+$0x0] =	vst.idx.msk vm2, v5;
	_ =	sdelay $0x9  }
0x39: {  	s19 =	spop (v2sf)  }
0x3a: {  	s16 =	sadd.s32 s16, s19;
	s19 =	spop (v2sf)  }
0x3b: {  	s20 =	sadd.s32 $0xFFFFFFFF, s16;
	s16 =	sadd.s32 s19, s16  }
.Ltmp2:
0x3c: {  	v5 =	vadd.s32 s20, v9;
	(pc) =	sbr.rel @p0 .LBB2_2-.Ltmp2, $2  }
0x3d: {  	_ =	sdelay $0x2  }
0x3e: {  	v6 =	vor.u32 v1, v6  }
0x3f: {  	s17 =	sadd.s32 $0xF, s16  }
0x40: {  	s18 =	sand.u32 $0xF, s17  }
0x41: {  	s31 =	sshra.s32 s17, $0x1F;
	p1 =	slt.s32 s17, $0x1;
	p0 =	sne.s32 s18, $0x0  }
0x42: {  	s18 =	sshrl.u32 s31, $0x1C;
	p0 =	por !p1, !p0  }
0x43: {  	s17 =	sadd.s32 s18, s17;
	s18 =	simm.s32 $0x1;
	p0 =	por !p0, !p0  }
0x44: {  	s17 =	sshra.s32 s17, $0x4;
	s18 =	simm.s32 @!p0 $0x0  }
0x45: {  	s18 =	ssub.s32 s17, s18  }
0x46: {  	p0 =	slt.s32 s18, $0x1  }
.Ltmp3:
0x47: {  	_ = 	snop;
	(pc) =	sbr.rel @p0 .LBB2_10-.Ltmp3, $2  }
0x48: {  	_ =	sdelay $0x2  }
0x49: {  	[tilespmem:v5+s8+$0x0] =	vst.idx.msk vm1, v6;
	v5 =	vmov s16  }
0x4a: {  	p1 =	sne.s32 s18, $0x1  }
.Ltmp4:
0x4b: {  	_ = 	snop;
	(pc) =	sbr.rel @!p1 .LBB2_5-.Ltmp4, $3  }
0x4c: {  	_ =	sdelay $0x1  }
0x4d: {  	s19 =	simm.s32 $0x4000  }
0x4e: {  	s17 =	simm.s32 $0x0;
	s18 =	sadd.s32 $0xFFFFFFFF, s18;
	p0 =	por $0x0, $0x0;
	v6 =	vld [tilespmem:s19+$0x0]  }
0x4f: {  	_ =	sdelay $0x1  }
0x50: {  	v7 =	vor.u32 s17, v1  }
0x51: {  	vm1 =	vlt.s32 v7, v5  }
0x52: {  	v6 =	vnsel vm1, $0x7FFFFFFF, v6  }
0x53: {  	(xrf1) =	vsort.ascd.msk.u32 $0xffff, v6, v6;
	_ =	sdelay $0xd  }
0x54: {  	v6, _, _ =	vpop (xrf1)  }
0x55: {  	v7 =	vperm.xlane v6, v3;
	_ =	sdelay $0x1  }
0x56: {  	v8 =	vshra.s32 v6, $0xE;
	v7 =	vshra.s32 v7, $0xE  }
0x57: {  	vm1 =	vne.s32 v8, v7  }
0x58: {  	vm2 =	vne.s32 v6, $0x7FFFFFFF;
	vm1 =	vmor vm1, vm0  }
0x59: {  	vm1 =	vmand vm2, vm1;
	_ =	sdelay $0x1  }
0x5a: {  	p1 =	sne.s32 s18, $0x1  }
.Ltmp5:
0x5b: {  	_ = 	snop;
	(pc) =	sbr.rel @!p1 .LBB2_7-.Ltmp5, $4  }
0x5c: {  	_ = 	snop  }
0x5d: {  	v6 =	vand.u32 $0x3FFF, v6  }
0x5e: {  	s19 =	simm.s32 $0x4010;
	[tilespmem:v8+s10+$0x0] =	vst.idx.msk vm1, v6  }
0x5f: {  	s20 =	sadd.s32 $0xFFFFFFFF, s18;
	p0 =	por $0x1, $0x1;
	s18 =	simm.s32 $0x0;
	v6 =	vld [tilespmem:s19+$0x0]  }
.LBB2_8:
0x60: {  	p1 =	sne.s32 s20, $0x1  }
0x61: {  	s18 =	sadd.s32 $0x10, s18  }
0x62: {  	v7 =	vor.u32 s18, v1  }
0x63: {  	vm1 =	vlt.s32 v7, v5  }
0x64: {  	v6 =	vnsel vm1, $0x7FFFFFFF, v6  }
0x65: {  	(xrf1) =	vsort.ascd.msk.u32 $0xffff, v6, v6;
	_ =	sdelay $0xd  }
0x66: {  	v6, _, _ =	vpop (xrf1)  }
0x67: {  	v7 =	vperm.xlane v6, v3;
	_ =	sdelay $0x1  }
0x68: {  	v8 =	vshra.s32 v6, $0xE;
	v7 =	vshra.s32 v7, $0xE  }
0x69: {  	vm1 =	vne.s32 v8, v7  }
0x6a: {  	vm2 =	vne.s32 v6, $0x7FFFFFFF;
	vm1 =	vmor vm1, vm0  }
0x6b: {  	vm1 =	vmand vm2, vm1;
	_ =	sdelay $0x2  }
.Ltmp6:
0x6c: {  	(pc) =	sbr.rel @p1 .LBB2_8-.Ltmp6, $4  }
0x6d: {  	_ = 	snop  }
0x6e: {  	v6 =	vand.u32 $0x3FFF, v6  }
0x6f: {  	s19 =	sadd.s32 $0x10, s19;
	[tilespmem:v8+s10+$0x0] =	vst.idx.msk vm1, v6  }
0x70: {  	s20 =	sadd.s32 $0xFFFFFFFF, s20;
	v6 =	vld [tilespmem:s19+$0x0]  }
.LBB2_9:
0x71: {  	s18 =	sadd.s32 @p0 $0x10, s18  }
0x72: {  	s17 =	smov.u32 @p0 s18  }
0x73: {  	v7 =	vor.u32 s17, v1  }
0x74: {  	vm1 =	vlt.s32 v7, v5  }
0x75: {  	v6 =	vnsel vm1, $0x7FFFFFFF, v6  }
0x76: {  	(xrf1) =	vsort.ascd.msk.u32 $0xffff, v6, v6;
	_ =	sdelay $0xd  }
0x77: {  	v6, _, _ =	vpop (xrf1)  }
0x78: {  	v7 =	vperm.xlane v6, v3;
	_ =	sdelay $0x1  }
0x79: {  	v8 =	vshra.s32 v6, $0xE;
	v7 =	vshra.s32 v7, $0xE  }
0x7a: {  	vm1 =	vne.s32 v8, v7  }
0x7b: {  	vm2 =	vne.s32 v6, $0x7FFFFFFF;
	vm1 =	vmor vm1, vm0  }
0x7c: {  	vm1 =	vmand vm2, vm1;
	_ =	sdelay $0x4  }
0x7d: {  	v6 =	vand.u32 $0x3FFF, v6  }
0x7e: {  	[tilespmem:v8+s10+$0x0] =	vst.idx.msk vm1, v6  }
.LBB2_10:
0x7f: {  	s16 =	sadd.s32 $0x1F, s16  }
0x80: {  	s17 =	sand.u32 $0x1F, s16  }
0x81: {  	s18 =	sshra.s32 s16, $0x1F;
	p0 =	slt.s32 s16, $0x1;
	p1 =	sne.s32 s17, $0x0  }
0x82: {  	s31 =	sshrl.u32 s18, $0x1B;
	p0 =	por !p0, !p1  }
0x83: {  	s17 =	simm.s32 $0x1;
	s16 =	sadd.s32 s31, s16;
	p0 =	por !p0, !p0  }
0x84: {  	s16 =	sshra.s32 s16, $0x5;
	s17 =	simm.s32 @!p0 $0x0  }
0x85: {  	s16 =	ssub.s32 s16, s17  }
0x86: {  	p0 =	slt.s32 s16, $0x1  }
.Ltmp7:
0x87: {  	_ = 	snop;
	(pc) =	sbr.rel @p0 .LBB2_14-.Ltmp7, $1  }
0x88: {  	_ =	sdelay $0x3  }
0x89: {  	v7 =	vld [tilespmem:$0x4000];
	_ =	sdelay $0x4  }
0x8a: {  	v6 =	vbroadcast v7, $0x0  }
0x8b: {  	vm1 =	vgt.s32 v5, v1  }
0x8c: {  	v7 =	vsel vm1, v7, v6  }
0x8d: {  	v9 =	vld [tilespmem:$0x4010];
	v8 =	vshra.s32 v7, $0xE;
	_ =	sdelay $0x3  }
0x8e: {  	vm1 =	vgt.s32 v5, v4  }
0x8f: {  	v9 =	vsel vm1, v9, v6;
	v8 =	vld.idx.msk [tilespmem:v8+s10+$0x0], $0xffff  }
0x90: {  	v10 =	vshra.s32 v9, $0xE;
	_ =	sdelay $0x1  }
0x91: {  	v7 =	vand.u32 $0x3FFF, v7  }
0x92: {  	[tilespmem:$0x10090] =	vst v7  }
0x93: {  	[tilespmem:$0x10010] =	vst v8  }
0x94: {  	v7 =	vld.idx.msk [tilespmem:v10+s10+$0x0], $0xffff;
	_ =	sdelay $0x4  }
0x95: {  	[tilespmem:$0x10020] =	vst v7;
	v7 =	vand.u32 $0x3FFF, v9  }
0x96: {  	p0 =	seq.s32 s16, $0x1;
	[tilespmem:$0x100A0] =	vst v7  }
0x97: {  	[tilespmem:s13], [sflag:$0x1] =	stream.indirect.gather [hbm4b:s2+s11], $0x40, s12, s11, $0xb8;
	[tilespmem:$0x12110] =	vst v63  }
0x98: {  	v7 =	vld @!p0 [tilespmem:$0x4020];
	_ =	sdelay $0x1  }
0x99: {  	v8 =	vlaneseq.u32 @!p0  }
0x9a: {  	v9 =	vor.u32 @!p0 $0x20, v8  }
0x9b: {  	vm1 =	vgt.s32 @!p0 v5, v9  }
0x9c: {  	v7 =	vsel @!p0 vm1, v7, v6  }
0x9d: {  	v10 =	vld @!p0 [tilespmem:$0x4030];
	v9 =	vshra.s32 @!p0 v7, $0xE;
	_ =	sdelay $0x2  }
0x9e: {  	v8 =	vor.u32 @!p0 $0x30, v8  }
0x9f: {  	s17 =	simm.s32 @!p0 $0x8010;
	vm1 =	vgt.s32 @!p0 v5, v8  }
0xa0: {  	v8 =	vsel @!p0 vm1, v10, v6;
	v9 =	vld.idx.msk @!p0 [tilespmem:v9+s17+$0x0], $0xffff  }
0xa1: {  	v10 =	vshra.s32 @!p0 v8, $0xE;
	_ =	sdelay $0x1  }
0xa2: {  	v7 =	vand.u32 @!p0 $0x3FFF, v7  }
0xa3: {  	[tilespmem:$0x100B0] =	vst @!p0 v7  }
0xa4: {  	[tilespmem:$0x10030] =	vst @!p0 v9  }
0xa5: {  	v7 =	vld.idx.msk @!p0 [tilespmem:v10+s17+$0x0], $0xffff;
	_ =	sdelay $0x4  }
0xa6: {  	[tilespmem:$0x10040] =	vst @!p0 v7;
	v7 =	vand.u32 @!p0 $0x3FFF, v8  }
0xa7: {  	s18 =	simm.s32 @!p0 $0x10030;
	s19 =	simm.s32 @!p0 $0x10910;
	s17 =	simm.s32 @!p0 $0x20;
	[tilespmem:$0x100C0] =	vst @!p0 v7  }
0xa8: {  	[tilespmem:s19], [sflag:$0x1] =	stream.indirect.gather @!p0 [hbm4b:s2+s17], $0x40, s18, s17, $0xb8;
	[tilespmem:$0x12110] =	vst v63  }
0xa9: {  	s19 =	simm.s32 $0x2;
	s17 =	simm.s32 $0x4050;
	s18 =	simm.s32 $0x50  }
.LBB2_12:
0xaa: {  	s20 =	sadd.s32 $0xFFFFFFFE, s19;
	_ =	swait.ge [sflag:s9], $0x800  }
0xab: {  	[sflag:s9] =	ssyncset.done $0x0;
	p1 =	slt.u32 s20, $0x2  }
0xac: {  	s20 =	sand.u32 $0x3, s20;
	[sflag:s9] =	ssyncadd.s32 $0xFFFFF800;
	s21 =	simm.s32 @!p1 $0x2  }
0xad: {  	s22 =	sshll.u32 s20, $0xB;
	_ =	swait.ge @!p1 [sflag:s21], $0x800  }
0xae: {  	s20 =	sshll.u32 s20, $0x5;
	s30 =	sor.u32 $0x10110, s22;
	[sflag:s21] =	ssyncset.done @!p1 $0x0  }
0xaf: {  	s20 =	sor.u32 $0x10090, s20;
	[sflag:s21] =	ssyncadd.s32 @!p1 $0xFFFFF800;
	p1 =	sge.s32 s19, s16  }
0xb0: {  	[hbm4b:s4+s11] =	stream.indirect.scatter [tilespmem:s30], [sflag:$0x2], $0x40, s20, s11, $0xb8;
	[tilespmem:$0x12110] =	vst v63  }
0xb1: {  	v7 =	vld @!p1 [tilespmem:s17+$0xFFFFFFF0];
	_ =	sdelay $0x1  }
0xb2: {  	s20 =	sadd.s32 @!p1 $0xFFFFFFF0, s18;
	v8 =	vlaneseq.u32 @!p1  }
0xb3: {  	v9 =	vor.u32 @!p1 s20, v8  }
0xb4: {  	vm1 =	vlt.s32 @!p1 v9, v5  }
0xb5: {  	v7 =	vsel @!p1 vm1, v7, v6  }
0xb6: {  	v9 =	vshra.s32 @!p1 v7, $0xE;
	_ =	sdelay $0x3  }
0xb7: {  	s20 =	simm.s32 @!p1 $0x8010  }
0xb8: {  	v9 =	vld.idx.msk @!p1 [tilespmem:v9+s20+$0x0], $0xffff;
	_ =	sdelay $0x1  }
0xb9: {  	s21 =	sand.u32 @!p1 $0x3, s19  }
0xba: {  	s22 =	sshll.u32 @!p1 s21, $0x5;
	v7 =	vand.u32 @!p1 $0x3FFF, v7  }
0xbb: {  	[tilespmem:s22+$0x10090] =	vst @!p1 v7  }
0xbc: {  	[tilespmem:s22+$0x10010] =	vst @!p1 v9  }
0xbd: {  	v7 =	vld @!p1 [tilespmem:s17+$0x0];
	_ =	sdelay $0x2  }
0xbe: {  	v8 =	vor.u32 @!p1 s18, v8  }
0xbf: {  	vm1 =	vlt.s32 @!p1 v8, v5  }
0xc0: {  	v7 =	vsel @!p1 vm1, v7, v6  }
0xc1: {  	v8 =	vshra.s32 @!p1 v7, $0xE;
	_ =	sdelay $0x4  }
0xc2: {  	v8 =	vld.idx.msk @!p1 [tilespmem:v8+s20+$0x0], $0xffff;
	_ =	sdelay $0x2  }
0xc3: {  	v7 =	vand.u32 @!p1 $0x3FFF, v7  }
0xc4: {  	s31 =	sadd.s32 $0xFFFFFFFF, s19;
	s20 =	sshll.u32 @!p1 s21, $0xB;
	[tilespmem:s22+$0x100A0] =	vst @!p1 v7  }
0xc5: {  	s21 =	sor.u32 @!p1 $0x10010, s22;
	s20 =	sor.u32 @!p1 $0x10110, s20;
	[tilespmem:s22+$0x10020] =	vst @!p1 v8;
	s22 =	simm.s32 @!p1 $0x20  }
0xc6: {  	[tilespmem:s20], [sflag:$0x1] =	stream.indirect.gather @!p1 [hbm4b:s2+s22], $0x40, s21, s22, $0xb8;
	[tilespmem:$0x12110] =	vst v63  }
0xc7: {  	p1 =	sne.s32 s31, s16  }
.Ltmp8:
0xc8: {  	_ = 	snop;
	(pc) =	sbr.rel @p1 .LBB2_12-.Ltmp8, $2  }
0xc9: {  	_ =	sdelay $0x2  }
0xca: {  	s19 =	sadd.s32 $0x1, s19;
	s18 =	sadd.s32 $0x20, s18;
	s17 =	sadd.s32 $0x20, s17  }
0xcb: {  	_ =	swait.ge [sflag:s14], $0x800  }
.Ltmp9:
0xcc: {  	[sflag:s14] =	ssyncset.done $0x0;
	(pc) =	sbr.rel .LBB2_14-.Ltmp9, $4  }
0xcd: {  	s16 =	simm.s32 @!p0 $0x2;
	[sflag:s14] =	ssyncadd.s32 $0xFFFFF800  }
0xce: {  	_ =	swait.ge @!p0 [sflag:s16], $0x800  }
0xcf: {  	[sflag:s16] =	ssyncset.done @!p0 $0x0  }
0xd0: {  	[sflag:s16] =	ssyncadd.s32 @!p0 $0xFFFFF800  }
.LBB2_5:
.Ltmp10:
0xd1: {  	(pc) =	sbr.rel .LBB2_9-.Ltmp10, $2  }
0xd2: {  	_ =	sdelay $0x2  }
0xd3: {  	s18 =	simm.s32 $0x0  }
.LBB2_7:
.Ltmp11:
0xd4: {  	(pc) =	sbr.rel .LBB2_9-.Ltmp11, $2  }
0xd5: {  	_ =	sdelay $0x2  }
0xd6: {  	s18 =	simm.s32 $0x0  }
.LBB2_15:
0xd7: {  	_ =	sfence.sel $0x180000  }
0xd8: {  	[bflag:$0x0] =	sbarrier.arrive $0xFFFF  }
0xd9: {  	p0 =	sne.s32 s3, $0x0;
	_ =	strace $0x90000047  }
0xda: {  	s0 =	sadd.s32 @!p0 $0x100000, s0;
	[bflag:$0x2] =	sbarrier.arrive $0xFFFF  }
0xdb: {  	[sflag:s0] =	ssyncadd.tile.s32 @!p0 $0x1;
	_ =	shalt  }
.Lfunc_end2:
_tile_overlayer_lowered:
.L_overlay_start_2:
0xdc: {  	(tag) =	ssettag $0x2  }
0xdd: {  	s0 =	rddreg [dreg:$0x0];
	s2 =	stileid.u32  }
0xde: {  	s1 =	rddreg [dreg:$0x1];
	p0 =	sne.s32 s2, $0x0  }
0xdf: {  	s3 =	rddreg [dreg:$0x2];
	[bflag:$0x3] =	sbarrier.arrive $0xFFFF;
	s2 =	simm.s32 @!p0 $0x1C03  }
0xe0: {  	[timem:s3], [sflag:s2] =	dma.local @!p0 [hbm:s0], s1  }
0xe1: {  	s0 =	simm.s32 @!p0 $0x3  }
0xe2: {  	_ =	swait.ge @!p0 [sflag:s0], s1  }
0xe3: {  	s1 =	ssub.s32 @!p0 $0x0, s1;
	[sflag:s0] =	ssyncset.done @!p0 $0x0  }
0xe4: {  	[sflag:s0] =	ssyncadd.s32 @!p0 s1  }
0xe5: {  	[bflag:$0x3] =	sbarrier.arrive $0xFFFF  }
0xe6: {  	_ =	shalt  }

</sc_bundles>
